<compile_context>
chip_gen: v7x
topology: tpu7x:2x2x1
jax: 0.10.2.dev20260603
libtpu: 0.0.44.dev20260713+nightly
codegen_flags: <defaults>
</compile_context>

<pallas_src>
import functools

import jax
import jax.numpy as jnp
from jax import lax
from jax.experimental import pallas as pl
from jax.experimental.pallas import tpu as pltpu
from jax.experimental.pallas import tpu_sc as plsc

_M = 48
_K = 256
_DSUB = 16
_B = 16384
_D = _M * _DSUB

_NC = 2
_NS = 16
_NW = _NC * _NS
_TOTAL = _B * _M
_PER_W = _TOTAL // _NW
_RPG = 128
_NG = _PER_W // _RPG
_KF = 8
_BURST = _KF * _RPG
_NB = _NG // _KF

_mesh = plsc.VectorSubcoreMesh(core_axis_name="c", subcore_axis_name="s")


@functools.partial(
    pl.kernel,
    mesh=_mesh,
    out_type=jax.ShapeDtypeStruct((_TOTAL, _DSUB), jnp.float32),
    scratch_types=[
        pltpu.VMEM((_NG, _RPG), jnp.int32),
        pltpu.VMEM((4, _BURST, _DSUB), jnp.float32),
        pltpu.SemaphoreType.DMA,
        pltpu.SemaphoreType.DMA,
        pltpu.SemaphoreType.DMA,
        pltpu.SemaphoreType.DMA,
    ],
    compiler_params=pltpu.CompilerParams(use_tc_tiling_on_sc=False),
)
def _pq_gather(codes_hbm, table_hbm, out_hbm, idx_v, rows_v, sem_ga, sem_gb,
               sem_gc, sem_s):
    wid = lax.axis_index("s") * _NC + lax.axis_index("c")

    pltpu.sync_copy(codes_hbm.at[pl.ds(wid * _NG, _NG)], idx_v)

    lane = lax.iota(jnp.int32, 16)

    def add_offsets_burst(gb):
        def row(jj, carry):
            j = gb * _KF + jj
            for o in range(_RPG // 16):
                pos = j * _RPG + (o * 16) + lane
                off = lax.rem(pos, _M) * _K
                sl = pl.ds(o * 16, 16)
                idx_v[j, sl] = idx_v[j, sl] + off
            return carry

        lax.fori_loop(0, _KF, row, 0)

    def fire(g, buf, sem):
        for f in range(_KF):
            pltpu.async_copy(
                table_hbm.at[idx_v.at[g * _KF + f]],
                rows_v.at[buf, pl.ds(f * _RPG, _RPG)],
                sem,
            )

    def drain_gathers(buf, sem):
        pltpu.make_async_copy(
            out_hbm.at[pl.ds(0, _BURST)], rows_v.at[buf], sem
        ).wait()

    def scatter(g, buf):
        pltpu.async_copy(
            rows_v.at[buf],
            out_hbm.at[pl.ds(wid * _PER_W + g * _BURST, _BURST)],
            sem_s,
        )

    def drain_scatter(buf):
        pltpu.make_async_copy(
            rows_v.at[buf], out_hbm.at[pl.ds(wid * _PER_W, _BURST)], sem_s
        ).wait()

    sems = (sem_ga, sem_gb, sem_gc)
    add_offsets_burst(0)
    add_offsets_burst(1)

    def burst_triple(i, carry):
        for b3 in range(3):
            g = 3 * i + b3
            buf = lax.rem(g, 4)

            @pl.when(g >= 4)
            def _scatter_done():
                drain_scatter(buf)

            fire(g, buf, sems[b3])

            @pl.when(g + 2 < _NB)
            def _prep_next():
                add_offsets_burst(g + 2)

            @pl.when(g >= 1)
            def _prev_done():
                prev = lax.rem(g + 3, 4)
                drain_gathers(prev, sems[(b3 + 2) % 3])
                scatter(g - 1, prev)

        return carry

    lax.fori_loop(0, _NB // 3, burst_triple, 0)

    last = lax.rem(_NB - 1, 4)
    drain_gathers(last, sems[(_NB - 1) % 3])
    scatter(_NB - 1, last)
    for _ in range(4):
        drain_scatter(0)


def kernel(doc_codes, sub_weights):
    codes = doc_codes.astype(jnp.int32).reshape(_NW * _NG, _RPG)
    table = sub_weights.reshape(_M * _K, _DSUB)
    flat = _pq_gather(codes, table)
    return flat.reshape(_B, _D)

# --- scband reference (transcript-rebuilt; emitter-appended) ---
"""Pipeline reference for scband-jpqembedding-model-23072564314885 (READ-ONLY COPY).

The authoritative reference and input builder live on the scoring server;
editing this copy changes nothing except your own understanding.
"""

import jax, jax.numpy as jnp
import numpy as np

M = 48
K = 256
DSUB = 16
B = 16384


def setup_inputs(seed: int = 0) -> dict:
    key = jax.random.key(seed)
    k1, k2 = jax.random.split(key)
    doc_codes = jax.random.randint(k1, (B, M), 0, K).astype(jnp.int64)
    # Learned parameters: M sub-embedding tables, each [K, DSUB] (faiss PQ centroids)
    sub_weights = jax.random.normal(k2, (M, K, DSUB), dtype=jnp.float32)
    return {"doc_codes": doc_codes, "sub_weights": sub_weights}


def reference(doc_codes, sub_weights):
    # Faithful translation of JPQEmbeddingModel.forward:
    # parts[i] = sub_embeddings[i](doc_codes[:, i]); out = cat(parts, dim=1)
    parts = [jnp.take(sub_weights[i], doc_codes[:, i], axis=0) for i in range(M)]
    return jnp.concatenate(parts, axis=1)

if __name__ == "__main__":
    import jax
    _d = setup_inputs()
    print(jax.jit(kernel)(*tuple(_d.values())))

</pallas_src>

<mosaic_0001>
#map = affine_map<(d0, d1) -> (0, 0)>
module attributes {stable_mosaic.version = 14 : i64} {
  func.func @_pq_gather(%arg0: i32, %arg1: i32, %arg2: memref<6144x128xi32, #tpu.memory_space<hbm>>, %arg3: memref<12288x16xf32, #tpu.memory_space<hbm>>, %arg4: memref<786432x16xf32, #tpu.memory_space<hbm>>, %arg5: memref<192x128xi32, #tpu.memory_space<vmem>>, %arg6: memref<4x1024x16xf32, #tpu.memory_space<vmem>>, %arg7: memref<!tpu.dma_semaphore, #tpu.memory_space<semaphore_mem>>, %arg8: memref<!tpu.dma_semaphore, #tpu.memory_space<semaphore_mem>>, %arg9: memref<!tpu.dma_semaphore, #tpu.memory_space<semaphore_mem>>, %arg10: memref<!tpu.dma_semaphore, #tpu.memory_space<semaphore_mem>>) attributes {dimension_semantics = [#tpu.dimension_semantics<core_parallel>, #tpu.dimension_semantics<subcore_parallel>], iteration_bounds = array<i64: 2, 16>, scalar_prefetch = 0 : i64, scratch_operands = 6 : i64, tpu.core_type = #tpu.core_type<sc_vector_subcore>, window_params = [{transform_indices = #map}, {transform_indices = #map}, {transform_indices = #map}]} {
    %mul3A = arith.constant 2 : i32
    %mul3A_0 = arith.muli %arg1, %mul3A : i32
    %add3A = arith.addi %mul3A_0, %arg0 : i32
    %mul3A_1 = arith.constant 192 : i32
    %mul3A_2 = arith.muli %add3A, %mul3A_1 : i32
    "tpu.region"() ({
      %run_scoped3A = tpu.sem_alloc : memref<!tpu.dma_semaphore, #tpu.memory_space<semaphore_mem>>
      %dma_start3A_110 = arith.constant 0 : i32
      %dma_start3A_111 = tpu.memref_slice %arg2[%mul3A_2, %dma_start3A_110] : memref<6144x128xi32, #tpu.memory_space<hbm>> -> memref<192x128xi32, #tpu.memory_space<hbm>>
      %dma_start3A_112 = arith.constant 0 : i32
      %dma_start3A_113 = tpu.memref_slice %arg2[%mul3A_2, %dma_start3A_112] : memref<6144x128xi32, #tpu.memory_space<hbm>> -> memref<192x128xi32, #tpu.memory_space<hbm>>
      tpu.enqueue_dma source(%dma_start3A_113 : memref<192x128xi32, #tpu.memory_space<hbm>>) target(%arg5 : memref<192x128xi32, #tpu.memory_space<vmem>>) target_semaphore(%run_scoped3A : memref<!tpu.dma_semaphore, #tpu.memory_space<semaphore_mem>>)
      %dma_wait3A_114 = arith.constant 0 : i32
      %dma_wait3A_115 = tpu.memref_slice %arg2[%mul3A_2, %dma_wait3A_114] : memref<6144x128xi32, #tpu.memory_space<hbm>> -> memref<192x128xi32, #tpu.memory_space<hbm>>
      %dma_wait3A_116 = arith.constant 0 : i32
      %dma_wait3A_117 = tpu.memref_slice %arg2[%mul3A_2, %dma_wait3A_116] : memref<6144x128xi32, #tpu.memory_space<hbm>> -> memref<192x128xi32, #tpu.memory_space<hbm>>
      tpu.wait_dma2 semaphore(%run_scoped3A : memref<!tpu.dma_semaphore, #tpu.memory_space<semaphore_mem>>) src(%dma_wait3A_117 : memref<192x128xi32, #tpu.memory_space<hbm>>) dst(%arg5 : memref<192x128xi32, #tpu.memory_space<vmem>>)
      tpu.yield
    }) : () -> ()
    %iota3A = tpu.iota {dimensions = array<i32: 0>} : vector<16xi32>
    %scan3A = arith.constant 0 : i32
    %scan3A_3 = arith.constant 0 : i32
    %scan3A_4 = arith.constant 8 : i32
    %scan3A_5 = arith.addi %scan3A_3, %scan3A_4 : i32
    %scan3A_6 = arith.constant 1 : i32
    scf.for %scan3A_110 = %scan3A_3 to %scan3A_5 step %scan3A_6  : i32 {
      %add3A_111 = arith.constant 0 : i32
      %add3A_112 = arith.addi %add3A_111, %scan3A_110 : i32
      %mul3A_113 = arith.constant 128 : i32
      %mul3A_114 = arith.muli %add3A_112, %mul3A_113 : i32
      %add3A_115 = arith.constant 0 : i32
      %add3A_116 = arith.addi %mul3A_114, %add3A_115 : i32
      %add3A_117 = vector.broadcast %add3A_116 : i32 to vector<16xi32>
      %add3A_118 = arith.addi %add3A_117, %iota3A : vector<16xi32>
      %rem3A_119 = arith.constant 48 : i32
      %rem3A_120 = vector.broadcast %rem3A_119 : i32 to vector<16xi32>
      %rem3A_121 = arith.remsi %add3A_118, %rem3A_120 : vector<16xi32>
      %mul3A_122 = arith.constant 256 : i32
      %mul3A_123 = vector.broadcast %mul3A_122 : i32 to vector<16xi32>
      %mul3A_124 = arith.muli %rem3A_121, %mul3A_123 : vector<16xi32>
      %get3A = arith.index_cast %add3A_112 : i32 to index
      %get3A_125 = arith.constant 0 : index
      %get3A_126 = tpu.vector_load %arg5[%get3A, %get3A_125] {strides = array<i32>} : memref<192x128xi32, #tpu.memory_space<vmem>>, vector<1x16xi32>,
      %get3A_127 = vector.shape_cast %get3A_126 : vector<1x16xi32> to vector<16xi32>
      %add3A_128 = arith.addi %get3A_127, %mul3A_124 : vector<16xi32>
      %swap3A = arith.index_cast %add3A_112 : i32 to index
      %swap3A_129 = arith.constant 0 : index
      %swap3A_130 = tpu.vector_load %arg5[%swap3A, %swap3A_129] {strides = array<i32>} : memref<192x128xi32, #tpu.memory_space<vmem>>, vector<1x16xi32>,
      %swap3A_131 = vector.shape_cast %swap3A_130 : vector<1x16xi32> to vector<16xi32>
      %swap3A_132 = vector.shape_cast %add3A_128 : vector<16xi32> to vector<1x16xi32>
      tpu.vector_store %arg5[%swap3A, %swap3A_129], %swap3A_132 {strides = array<i32>} : memref<192x128xi32, #tpu.memory_space<vmem>>, vector<1x16xi32>,
      %mul3A_133 = arith.constant 128 : i32
      %mul3A_134 = arith.muli %add3A_112, %mul3A_133 : i32
      %add3A_135 = arith.constant 16 : i32
      %add3A_136 = arith.addi %mul3A_134, %add3A_135 : i32
      %add3A_137 = vector.broadcast %add3A_136 : i32 to vector<16xi32>
      %add3A_138 = arith.addi %add3A_137, %iota3A : vector<16xi32>
      %rem3A_139 = arith.constant 48 : i32
      %rem3A_140 = vector.broadcast %rem3A_139 : i32 to vector<16xi32>
      %rem3A_141 = arith.remsi %add3A_138, %rem3A_140 : vector<16xi32>
      %mul3A_142 = arith.constant 256 : i32
      %mul3A_143 = vector.broadcast %mul3A_142 : i32 to vector<16xi32>
      %mul3A_144 = arith.muli %rem3A_141, %mul3A_143 : vector<16xi32>
      %get3A_145 = arith.index_cast %add3A_112 : i32 to index
      %get3A_146 = arith.constant 16 : index
      %get3A_147 = tpu.vector_load %arg5[%get3A_145, %get3A_146] {strides = array<i32>} : memref<192x128xi32, #tpu.memory_space<vmem>>, vector<1x16xi32>,
      %get3A_148 = vector.shape_cast %get3A_147 : vector<1x16xi32> to vector<16xi32>
      %add3A_149 = arith.addi %get3A_148, %mul3A_144 : vector<16xi32>
      %swap3A_150 = arith.index_cast %add3A_112 : i32 to index
      %swap3A_151 = arith.constant 16 : index
      %swap3A_152 = tpu.vector_load %arg5[%swap3A_150, %swap3A_151] {strides = array<i32>} : memref<192x128xi32, #tpu.memory_space<vmem>>, vector<1x16xi32>,
      %swap3A_153 = vector.shape_cast %swap3A_152 : vector<1x16xi32> to vector<16xi32>
      %swap3A_154 = vector.shape_cast %add3A_149 : vector<16xi32> to vector<1x16xi32>
      tpu.vector_store %arg5[%swap3A_150, %swap3A_151], %swap3A_154 {strides = array<i32>} : memref<192x128xi32, #tpu.memory_space<vmem>>, vector<1x16xi32>,
      %mul3A_155 = arith.constant 128 : i32
      %mul3A_156 = arith.muli %add3A_112, %mul3A_155 : i32
      %add3A_157 = arith.constant 32 : i32
      %add3A_158 = arith.addi %mul3A_156, %add3A_157 : i32
      %add3A_159 = vector.broadcast %add3A_158 : i32 to vector<16xi32>
      %add3A_160 = arith.addi %add3A_159, %iota3A : vector<16xi32>
      %rem3A_161 = arith.constant 48 : i32
      %rem3A_162 = vector.broadcast %rem3A_161 : i32 to vector<16xi32>
      %rem3A_163 = arith.remsi %add3A_160, %rem3A_162 : vector<16xi32>
      %mul3A_164 = arith.constant 256 : i32
      %mul3A_165 = vector.broadcast %mul3A_164 : i32 to vector<16xi32>
      %mul3A_166 = arith.muli %rem3A_163, %mul3A_165 : vector<16xi32>
      %get3A_167 = arith.index_cast %add3A_112 : i32 to index
      %get3A_168 = arith.constant 32 : index
      %get3A_169 = tpu.vector_load %arg5[%get3A_167, %get3A_168] {strides = array<i32>} : memref<192x128xi32, #tpu.memory_space<vmem>>, vector<1x16xi32>,
      %get3A_170 = vector.shape_cast %get3A_169 : vector<1x16xi32> to vector<16xi32>
      %add3A_171 = arith.addi %get3A_170, %mul3A_166 : vector<16xi32>
      %swap3A_172 = arith.index_cast %add3A_112 : i32 to index
      %swap3A_173 = arith.constant 32 : index
      %swap3A_174 = tpu.vector_load %arg5[%swap3A_172, %swap3A_173] {strides = array<i32>} : memref<192x128xi32, #tpu.memory_space<vmem>>, vector<1x16xi32>,
      %swap3A_175 = vector.shape_cast %swap3A_174 : vector<1x16xi32> to vector<16xi32>
      %swap3A_176 = vector.shape_cast %add3A_171 : vector<16xi32> to vector<1x16xi32>
      tpu.vector_store %arg5[%swap3A_172, %swap3A_173], %swap3A_176 {strides = array<i32>} : memref<192x128xi32, #tpu.memory_space<vmem>>, vector<1x16xi32>,
      %mul3A_177 = arith.constant 128 : i32
      %mul3A_178 = arith.muli %add3A_112, %mul3A_177 : i32
      %add3A_179 = arith.constant 48 : i32
      %add3A_180 = arith.addi %mul3A_178, %add3A_179 : i32
      %add3A_181 = vector.broadcast %add3A_180 : i32 to vector<16xi32>
      %add3A_182 = arith.addi %add3A_181, %iota3A : vector<16xi32>
      %rem3A_183 = arith.constant 48 : i32
      %rem3A_184 = vector.broadcast %rem3A_183 : i32 to vector<16xi32>
      %rem3A_185 = arith.remsi %add3A_182, %rem3A_184 : vector<16xi32>
      %mul3A_186 = arith.constant 256 : i32
      %mul3A_187 = vector.broadcast %mul3A_186 : i32 to vector<16xi32>
      %mul3A_188 = arith.muli %rem3A_185, %mul3A_187 : vector<16xi32>
      %get3A_189 = arith.index_cast %add3A_112 : i32 to index
      %get3A_190 = arith.constant 48 : index
      %get3A_191 = tpu.vector_load %arg5[%get3A_189, %get3A_190] {strides = array<i32>} : memref<192x128xi32, #tpu.memory_space<vmem>>, vector<1x16xi32>,
      %get3A_192 = vector.shape_cast %get3A_191 : vector<1x16xi32> to vector<16xi32>
      %add3A_193 = arith.addi %get3A_192, %mul3A_188 : vector<16xi32>
      %swap3A_194 = arith.index_cast %add3A_112 : i32 to index
      %swap3A_195 = arith.constant 48 : index
      %swap3A_196 = tpu.vector_load %arg5[%swap3A_194, %swap3A_195] {strides = array<i32>} : memref<192x128xi32, #tpu.memory_space<vmem>>, vector<1x16xi32>,
      %swap3A_197 = vector.shape_cast %swap3A_196 : vector<1x16xi32> to vector<16xi32>
      %swap3A_198 = vector.shape_cast %add3A_193 : vector<16xi32> to vector<1x16xi32>
      tpu.vector_store %arg5[%swap3A_194, %swap3A_195], %swap3A_198 {strides = array<i32>} : memref<192x128xi32, #tpu.memory_space<vmem>>, vector<1x16xi32>,
      %mul3A_199 = arith.constant 128 : i32
      %mul3A_200 = arith.muli %add3A_112, %mul3A_199 : i32
      %add3A_201 = arith.constant 64 : i32
      %add3A_202 = arith.addi %mul3A_200, %add3A_201 : i32
      %add3A_203 = vector.broadcast %add3A_202 : i32 to vector<16xi32>
      %add3A_204 = arith.addi %add3A_203, %iota3A : vector<16xi32>
      %rem3A_205 = arith.constant 48 : i32
      %rem3A_206 = vector.broadcast %rem3A_205 : i32 to vector<16xi32>
      %rem3A_207 = arith.remsi %add3A_204, %rem3A_206 : vector<16xi32>
      %mul3A_208 = arith.constant 256 : i32
      %mul3A_209 = vector.broadcast %mul3A_208 : i32 to vector<16xi32>
      %mul3A_210 = arith.muli %rem3A_207, %mul3A_209 : vector<16xi32>
      %get3A_211 = arith.index_cast %add3A_112 : i32 to index
      %get3A_212 = arith.constant 64 : index
      %get3A_213 = tpu.vector_load %arg5[%get3A_211, %get3A_212] {strides = array<i32>} : memref<192x128xi32, #tpu.memory_space<vmem>>, vector<1x16xi32>,
      %get3A_214 = vector.shape_cast %get3A_213 : vector<1x16xi32> to vector<16xi32>
      %add3A_215 = arith.addi %get3A_214, %mul3A_210 : vector<16xi32>
      %swap3A_216 = arith.index_cast %add3A_112 : i32 to index
      %swap3A_217 = arith.constant 64 : index
      %swap3A_218 = tpu.vector_load %arg5[%swap3A_216, %swap3A_217] {strides = array<i32>} : memref<192x128xi32, #tpu.memory_space<vmem>>, vector<1x16xi32>,
      %swap3A_219 = vector.shape_cast %swap3A_218 : vector<1x16xi32> to vector<16xi32>
      %swap3A_220 = vector.shape_cast %add3A_215 : vector<16xi32> to vector<1x16xi32>
      tpu.vector_store %arg5[%swap3A_216, %swap3A_217], %swap3A_220 {strides = array<i32>} : memref<192x128xi32, #tpu.memory_space<vmem>>, vector<1x16xi32>,
      %mul3A_221 = arith.constant 128 : i32
      %mul3A_222 = arith.muli %add3A_112, %mul3A_221 : i32
      %add3A_223 = arith.constant 80 : i32
      %add3A_224 = arith.addi %mul3A_222, %add3A_223 : i32
      %add3A_225 = vector.broadcast %add3A_224 : i32 to vector<16xi32>
      %add3A_226 = arith.addi %add3A_225, %iota3A : vector<16xi32>
      %rem3A_227 = arith.constant 48 : i32
      %rem3A_228 = vector.broadcast %rem3A_227 : i32 to vector<16xi32>
      %rem3A_229 = arith.remsi %add3A_226, %rem3A_228 : vector<16xi32>
      %mul3A_230 = arith.constant 256 : i32
      %mul3A_231 = vector.broadcast %mul3A_230 : i32 to vector<16xi32>
      %mul3A_232 = arith.muli %rem3A_229, %mul3A_231 : vector<16xi32>
      %get3A_233 = arith.index_cast %add3A_112 : i32 to index
      %get3A_234 = arith.constant 80 : index
      %get3A_235 = tpu.vector_load %arg5[%get3A_233, %get3A_234] {strides = array<i32>} : memref<192x128xi32, #tpu.memory_space<vmem>>, vector<1x16xi32>,
      %get3A_236 = vector.shape_cast %get3A_235 : vector<1x16xi32> to vector<16xi32>
      %add3A_237 = arith.addi %get3A_236, %mul3A_232 : vector<16xi32>
      %swap3A_238 = arith.index_cast %add3A_112 : i32 to index
      %swap3A_239 = arith.constant 80 : index
      %swap3A_240 = tpu.vector_load %arg5[%swap3A_238, %swap3A_239] {strides = array<i32>} : memref<192x128xi32, #tpu.memory_space<vmem>>, vector<1x16xi32>,
      %swap3A_241 = vector.shape_cast %swap3A_240 : vector<1x16xi32> to vector<16xi32>
      %swap3A_242 = vector.shape_cast %add3A_237 : vector<16xi32> to vector<1x16xi32>
      tpu.vector_store %arg5[%swap3A_238, %swap3A_239], %swap3A_242 {strides = array<i32>} : memref<192x128xi32, #tpu.memory_space<vmem>>, vector<1x16xi32>,
      %mul3A_243 = arith.constant 128 : i32
      %mul3A_244 = arith.muli %add3A_112, %mul3A_243 : i32
      %add3A_245 = arith.constant 96 : i32
      %add3A_246 = arith.addi %mul3A_244, %add3A_245 : i32
      %add3A_247 = vector.broadcast %add3A_246 : i32 to vector<16xi32>
      %add3A_248 = arith.addi %add3A_247, %iota3A : vector<16xi32>
      %rem3A_249 = arith.constant 48 : i32
      %rem3A_250 = vector.broadcast %rem3A_249 : i32 to vector<16xi32>
      %rem3A_251 = arith.remsi %add3A_248, %rem3A_250 : vector<16xi32>
      %mul3A_252 = arith.constant 256 : i32
      %mul3A_253 = vector.broadcast %mul3A_252 : i32 to vector<16xi32>
      %mul3A_254 = arith.muli %rem3A_251, %mul3A_253 : vector<16xi32>
      %get3A_255 = arith.index_cast %add3A_112 : i32 to index
      %get3A_256 = arith.constant 96 : index
      %get3A_257 = tpu.vector_load %arg5[%get3A_255, %get3A_256] {strides = array<i32>} : memref<192x128xi32, #tpu.memory_space<vmem>>, vector<1x16xi32>,
      %get3A_258 = vector.shape_cast %get3A_257 : vector<1x16xi32> to vector<16xi32>
      %add3A_259 = arith.addi %get3A_258, %mul3A_254 : vector<16xi32>
      %swap3A_260 = arith.index_cast %add3A_112 : i32 to index
      %swap3A_261 = arith.constant 96 : index
      %swap3A_262 = tpu.vector_load %arg5[%swap3A_260, %swap3A_261] {strides = array<i32>} : memref<192x128xi32, #tpu.memory_space<vmem>>, vector<1x16xi32>,
      %swap3A_263 = vector.shape_cast %swap3A_262 : vector<1x16xi32> to vector<16xi32>
      %swap3A_264 = vector.shape_cast %add3A_259 : vector<16xi32> to vector<1x16xi32>
      tpu.vector_store %arg5[%swap3A_260, %swap3A_261], %swap3A_264 {strides = array<i32>} : memref<192x128xi32, #tpu.memory_space<vmem>>, vector<1x16xi32>,
      %mul3A_265 = arith.constant 128 : i32
      %mul3A_266 = arith.muli %add3A_112, %mul3A_265 : i32
      %add3A_267 = arith.constant 112 : i32
      %add3A_268 = arith.addi %mul3A_266, %add3A_267 : i32
      %add3A_269 = vector.broadcast %add3A_268 : i32 to vector<16xi32>
      %add3A_270 = arith.addi %add3A_269, %iota3A : vector<16xi32>
      %rem3A_271 = arith.constant 48 : i32
      %rem3A_272 = vector.broadcast %rem3A_271 : i32 to vector<16xi32>
      %rem3A_273 = arith.remsi %add3A_270, %rem3A_272 : vector<16xi32>
      %mul3A_274 = arith.constant 256 : i32
      %mul3A_275 = vector.broadcast %mul3A_274 : i32 to vector<16xi32>
      %mul3A_276 = arith.muli %rem3A_273, %mul3A_275 : vector<16xi32>
      %get3A_277 = arith.index_cast %add3A_112 : i32 to index
      %get3A_278 = arith.constant 112 : index
      %get3A_279 = tpu.vector_load %arg5[%get3A_277, %get3A_278] {strides = array<i32>} : memref<192x128xi32, #tpu.memory_space<vmem>>, vector<1x16xi32>,
      %get3A_280 = vector.shape_cast %get3A_279 : vector<1x16xi32> to vector<16xi32>
      %add3A_281 = arith.addi %get3A_280, %mul3A_276 : vector<16xi32>
      %swap3A_282 = arith.index_cast %add3A_112 : i32 to index
      %swap3A_283 = arith.constant 112 : index
      %swap3A_284 = tpu.vector_load %arg5[%swap3A_282, %swap3A_283] {strides = array<i32>} : memref<192x128xi32, #tpu.memory_space<vmem>>, vector<1x16xi32>,
      %swap3A_285 = vector.shape_cast %swap3A_284 : vector<1x16xi32> to vector<16xi32>
      %swap3A_286 = vector.shape_cast %add3A_281 : vector<16xi32> to vector<1x16xi32>
      tpu.vector_store %arg5[%swap3A_282, %swap3A_283], %swap3A_286 {strides = array<i32>} : memref<192x128xi32, #tpu.memory_space<vmem>>, vector<1x16xi32>,
    }
    %scan3A_7 = arith.constant 8 : i32
    %scan3A_8 = arith.constant 0 : i32
    %scan3A_9 = arith.constant 0 : i32
    %scan3A_10 = arith.constant 8 : i32
    %scan3A_11 = arith.addi %scan3A_9, %scan3A_10 : i32
    %scan3A_12 = arith.constant 1 : i32
    scf.for %scan3A_110 = %scan3A_9 to %scan3A_11 step %scan3A_12  : i32 {
      %add3A_111 = arith.constant 8 : i32
      %add3A_112 = arith.addi %add3A_111, %scan3A_110 : i32
      %mul3A_113 = arith.constant 128 : i32
      %mul3A_114 = arith.muli %add3A_112, %mul3A_113 : i32
      %add3A_115 = arith.constant 0 : i32
      %add3A_116 = arith.addi %mul3A_114, %add3A_115 : i32
      %add3A_117 = vector.broadcast %add3A_116 : i32 to vector<16xi32>
      %add3A_118 = arith.addi %add3A_117, %iota3A : vector<16xi32>
      %rem3A_119 = arith.constant 48 : i32
      %rem3A_120 = vector.broadcast %rem3A_119 : i32 to vector<16xi32>
      %rem3A_121 = arith.remsi %add3A_118, %rem3A_120 : vector<16xi32>
      %mul3A_122 = arith.constant 256 : i32
      %mul3A_123 = vector.broadcast %mul3A_122 : i32 to vector<16xi32>
      %mul3A_124 = arith.muli %rem3A_121, %mul3A_123 : vector<16xi32>
      %get3A = arith.index_cast %add3A_112 : i32 to index
      %get3A_125 = arith.constant 0 : index
      %get3A_126 = tpu.vector_load %arg5[%get3A, %get3A_125] {strides = array<i32>} : memref<192x128xi32, #tpu.memory_space<vmem>>, vector<1x16xi32>,
      %get3A_127 = vector.shape_cast %get3A_126 : vector<1x16xi32> to vector<16xi32>
      %add3A_128 = arith.addi %get3A_127, %mul3A_124 : vector<16xi32>
      %swap3A = arith.index_cast %add3A_112 : i32 to index
      %swap3A_129 = arith.constant 0 : index
      %swap3A_130 = tpu.vector_load %arg5[%swap3A, %swap3A_129] {strides = array<i32>} : memref<192x128xi32, #tpu.memory_space<vmem>>, vector<1x16xi32>,
      %swap3A_131 = vector.shape_cast %swap3A_130 : vector<1x16xi32> to vector<16xi32>
      %swap3A_132 = vector.shape_cast %add3A_128 : vector<16xi32> to vector<1x16xi32>
      tpu.vector_store %arg5[%swap3A, %swap3A_129], %swap3A_132 {strides = array<i32>} : memref<192x128xi32, #tpu.memory_space<vmem>>, vector<1x16xi32>,
      %mul3A_133 = arith.constant 128 : i32
      %mul3A_134 = arith.muli %add3A_112, %mul3A_133 : i32
      %add3A_135 = arith.constant 16 : i32
      %add3A_136 = arith.addi %mul3A_134, %add3A_135 : i32
      %add3A_137 = vector.broadcast %add3A_136 : i32 to vector<16xi32>
      %add3A_138 = arith.addi %add3A_137, %iota3A : vector<16xi32>
      %rem3A_139 = arith.constant 48 : i32
      %rem3A_140 = vector.broadcast %rem3A_139 : i32 to vector<16xi32>
      %rem3A_141 = arith.remsi %add3A_138, %rem3A_140 : vector<16xi32>
      %mul3A_142 = arith.constant 256 : i32
      %mul3A_143 = vector.broadcast %mul3A_142 : i32 to vector<16xi32>
      %mul3A_144 = arith.muli %rem3A_141, %mul3A_143 : vector<16xi32>
      %get3A_145 = arith.index_cast %add3A_112 : i32 to index
      %get3A_146 = arith.constant 16 : index
      %get3A_147 = tpu.vector_load %arg5[%get3A_145, %get3A_146] {strides = array<i32>} : memref<192x128xi32, #tpu.memory_space<vmem>>, vector<1x16xi32>,
      %get3A_148 = vector.shape_cast %get3A_147 : vector<1x16xi32> to vector<16xi32>
      %add3A_149 = arith.addi %get3A_148, %mul3A_144 : vector<16xi32>
      %swap3A_150 = arith.index_cast %add3A_112 : i32 to index
      %swap3A_151 = arith.constant 16 : index
      %swap3A_152 = tpu.vector_load %arg5[%swap3A_150, %swap3A_151] {strides = array<i32>} : memref<192x128xi32, #tpu.memory_space<vmem>>, vector<1x16xi32>,
      %swap3A_153 = vector.shape_cast %swap3A_152 : vector<1x16xi32> to vector<16xi32>
      %swap3A_154 = vector.shape_cast %add3A_149 : vector<16xi32> to vector<1x16xi32>
      tpu.vector_store %arg5[%swap3A_150, %swap3A_151], %swap3A_154 {strides = array<i32>} : memref<192x128xi32, #tpu.memory_space<vmem>>, vector<1x16xi32>,
      %mul3A_155 = arith.constant 128 : i32
      %mul3A_156 = arith.muli %add3A_112, %mul3A_155 : i32
      %add3A_157 = arith.constant 32 : i32
      %add3A_158 = arith.addi %mul3A_156, %add3A_157 : i32
      %add3A_159 = vector.broadcast %add3A_158 : i32 to vector<16xi32>
      %add3A_160 = arith.addi %add3A_159, %iota3A : vector<16xi32>
      %rem3A_161 = arith.constant 48 : i32
      %rem3A_162 = vector.broadcast %rem3A_161 : i32 to vector<16xi32>
      %rem3A_163 = arith.remsi %add3A_160, %rem3A_162 : vector<16xi32>
      %mul3A_164 = arith.constant 256 : i32
      %mul3A_165 = vector.broadcast %mul3A_164 : i32 to vector<16xi32>
      %mul3A_166 = arith.muli %rem3A_163, %mul3A_165 : vector<16xi32>
      %get3A_167 = arith.index_cast %add3A_112 : i32 to index
      %get3A_168 = arith.constant 32 : index
      %get3A_169 = tpu.vector_load %arg5[%get3A_167, %get3A_168] {strides = array<i32>} : memref<192x128xi32, #tpu.memory_space<vmem>>, vector<1x16xi32>,
      %get3A_170 = vector.shape_cast %get3A_169 : vector<1x16xi32> to vector<16xi32>
      %add3A_171 = arith.addi %get3A_170, %mul3A_166 : vector<16xi32>
      %swap3A_172 = arith.index_cast %add3A_112 : i32 to index
      %swap3A_173 = arith.constant 32 : index
      %swap3A_174 = tpu.vector_load %arg5[%swap3A_172, %swap3A_173] {strides = array<i32>} : memref<192x128xi32, #tpu.memory_space<vmem>>, vector<1x16xi32>,
      %swap3A_175 = vector.shape_cast %swap3A_174 : vector<1x16xi32> to vector<16xi32>
      %swap3A_176 = vector.shape_cast %add3A_171 : vector<16xi32> to vector<1x16xi32>
      tpu.vector_store %arg5[%swap3A_172, %swap3A_173], %swap3A_176 {strides = array<i32>} : memref<192x128xi32, #tpu.memory_space<vmem>>, vector<1x16xi32>,
      %mul3A_177 = arith.constant 128 : i32
      %mul3A_178 = arith.muli %add3A_112, %mul3A_177 : i32
      %add3A_179 = arith.constant 48 : i32
      %add3A_180 = arith.addi %mul3A_178, %add3A_179 : i32
      %add3A_181 = vector.broadcast %add3A_180 : i32 to vector<16xi32>
      %add3A_182 = arith.addi %add3A_181, %iota3A : vector<16xi32>
      %rem3A_183 = arith.constant 48 : i32
      %rem3A_184 = vector.broadcast %rem3A_183 : i32 to vector<16xi32>
      %rem3A_185 = arith.remsi %add3A_182, %rem3A_184 : vector<16xi32>
      %mul3A_186 = arith.constant 256 : i32
      %mul3A_187 = vector.broadcast %mul3A_186 : i32 to vector<16xi32>
      %mul3A_188 = arith.muli %rem3A_185, %mul3A_187 : vector<16xi32>
      %get3A_189 = arith.index_cast %add3A_112 : i32 to index
      %get3A_190 = arith.constant 48 : index
      %get3A_191 = tpu.vector_load %arg5[%get3A_189, %get3A_190] {strides = array<i32>} : memref<192x128xi32, #tpu.memory_space<vmem>>, vector<1x16xi32>,
      %get3A_192 = vector.shape_cast %get3A_191 : vector<1x16xi32> to vector<16xi32>
      %add3A_193 = arith.addi %get3A_192, %mul3A_188 : vector<16xi32>
      %swap3A_194 = arith.index_cast %add3A_112 : i32 to index
      %swap3A_195 = arith.constant 48 : index
      %swap3A_196 = tpu.vector_load %arg5[%swap3A_194, %swap3A_195] {strides = array<i32>} : memref<192x128xi32, #tpu.memory_space<vmem>>, vector<1x16xi32>,
      %swap3A_197 = vector.shape_cast %swap3A_196 : vector<1x16xi32> to vector<16xi32>
      %swap3A_198 = vector.shape_cast %add3A_193 : vector<16xi32> to vector<1x16xi32>
      tpu.vector_store %arg5[%swap3A_194, %swap3A_195], %swap3A_198 {strides = array<i32>} : memref<192x128xi32, #tpu.memory_space<vmem>>, vector<1x16xi32>,
      %mul3A_199 = arith.constant 128 : i32
      %mul3A_200 = arith.muli %add3A_112, %mul3A_199 : i32
      %add3A_201 = arith.constant 64 : i32
      %add3A_202 = arith.addi %mul3A_200, %add3A_201 : i32
      %add3A_203 = vector.broadcast %add3A_202 : i32 to vector<16xi32>
      %add3A_204 = arith.addi %add3A_203, %iota3A : vector<16xi32>
      %rem3A_205 = arith.constant 48 : i32
      %rem3A_206 = vector.broadcast %rem3A_205 : i32 to vector<16xi32>
      %rem3A_207 = arith.remsi %add3A_204, %rem3A_206 : vector<16xi32>
      %mul3A_208 = arith.constant 256 : i32
      %mul3A_209 = vector.broadcast %mul3A_208 : i32 to vector<16xi32>
      %mul3A_210 = arith.muli %rem3A_207, %mul3A_209 : vector<16xi32>
      %get3A_211 = arith.index_cast %add3A_112 : i32 to index
      %get3A_212 = arith.constant 64 : index
      %get3A_213 = tpu.vector_load %arg5[%get3A_211, %get3A_212] {strides = array<i32>} : memref<192x128xi32, #tpu.memory_space<vmem>>, vector<1x16xi32>,
      %get3A_214 = vector.shape_cast %get3A_213 : vector<1x16xi32> to vector<16xi32>
      %add3A_215 = arith.addi %get3A_214, %mul3A_210 : vector<16xi32>
      %swap3A_216 = arith.index_cast %add3A_112 : i32 to index
      %swap3A_217 = arith.constant 64 : index
      %swap3A_218 = tpu.vector_load %arg5[%swap3A_216, %swap3A_217] {strides = array<i32>} : memref<192x128xi32, #tpu.memory_space<vmem>>, vector<1x16xi32>,
      %swap3A_219 = vector.shape_cast %swap3A_218 : vector<1x16xi32> to vector<16xi32>
      %swap3A_220 = vector.shape_cast %add3A_215 : vector<16xi32> to vector<1x16xi32>
      tpu.vector_store %arg5[%swap3A_216, %swap3A_217], %swap3A_220 {strides = array<i32>} : memref<192x128xi32, #tpu.memory_space<vmem>>, vector<1x16xi32>,
      %mul3A_221 = arith.constant 128 : i32
      %mul3A_222 = arith.muli %add3A_112, %mul3A_221 : i32
      %add3A_223 = arith.constant 80 : i32
      %add3A_224 = arith.addi %mul3A_222, %add3A_223 : i32
      %add3A_225 = vector.broadcast %add3A_224 : i32 to vector<16xi32>
      %add3A_226 = arith.addi %add3A_225, %iota3A : vector<16xi32>
      %rem3A_227 = arith.constant 48 : i32
      %rem3A_228 = vector.broadcast %rem3A_227 : i32 to vector<16xi32>
      %rem3A_229 = arith.remsi %add3A_226, %rem3A_228 : vector<16xi32>
      %mul3A_230 = arith.constant 256 : i32
      %mul3A_231 = vector.broadcast %mul3A_230 : i32 to vector<16xi32>
      %mul3A_232 = arith.muli %rem3A_229, %mul3A_231 : vector<16xi32>
      %get3A_233 = arith.index_cast %add3A_112 : i32 to index
      %get3A_234 = arith.constant 80 : index
      %get3A_235 = tpu.vector_load %arg5[%get3A_233, %get3A_234] {strides = array<i32>} : memref<192x128xi32, #tpu.memory_space<vmem>>, vector<1x16xi32>,
      %get3A_236 = vector.shape_cast %get3A_235 : vector<1x16xi32> to vector<16xi32>
      %add3A_237 = arith.addi %get3A_236, %mul3A_232 : vector<16xi32>
      %swap3A_238 = arith.index_cast %add3A_112 : i32 to index
      %swap3A_239 = arith.constant 80 : index
      %swap3A_240 = tpu.vector_load %arg5[%swap3A_238, %swap3A_239] {strides = array<i32>} : memref<192x128xi32, #tpu.memory_space<vmem>>, vector<1x16xi32>,
      %swap3A_241 = vector.shape_cast %swap3A_240 : vector<1x16xi32> to vector<16xi32>
      %swap3A_242 = vector.shape_cast %add3A_237 : vector<16xi32> to vector<1x16xi32>
      tpu.vector_store %arg5[%swap3A_238, %swap3A_239], %swap3A_242 {strides = array<i32>} : memref<192x128xi32, #tpu.memory_space<vmem>>, vector<1x16xi32>,
      %mul3A_243 = arith.constant 128 : i32
      %mul3A_244 = arith.muli %add3A_112, %mul3A_243 : i32
      %add3A_245 = arith.constant 96 : i32
      %add3A_246 = arith.addi %mul3A_244, %add3A_245 : i32
      %add3A_247 = vector.broadcast %add3A_246 : i32 to vector<16xi32>
      %add3A_248 = arith.addi %add3A_247, %iota3A : vector<16xi32>
      %rem3A_249 = arith.constant 48 : i32
      %rem3A_250 = vector.broadcast %rem3A_249 : i32 to vector<16xi32>
      %rem3A_251 = arith.remsi %add3A_248, %rem3A_250 : vector<16xi32>
      %mul3A_252 = arith.constant 256 : i32
      %mul3A_253 = vector.broadcast %mul3A_252 : i32 to vector<16xi32>
      %mul3A_254 = arith.muli %rem3A_251, %mul3A_253 : vector<16xi32>
      %get3A_255 = arith.index_cast %add3A_112 : i32 to index
      %get3A_256 = arith.constant 96 : index
      %get3A_257 = tpu.vector_load %arg5[%get3A_255, %get3A_256] {strides = array<i32>} : memref<192x128xi32, #tpu.memory_space<vmem>>, vector<1x16xi32>,
      %get3A_258 = vector.shape_cast %get3A_257 : vector<1x16xi32> to vector<16xi32>
      %add3A_259 = arith.addi %get3A_258, %mul3A_254 : vector<16xi32>
      %swap3A_260 = arith.index_cast %add3A_112 : i32 to index
      %swap3A_261 = arith.constant 96 : index
      %swap3A_262 = tpu.vector_load %arg5[%swap3A_260, %swap3A_261] {strides = array<i32>} : memref<192x128xi32, #tpu.memory_space<vmem>>, vector<1x16xi32>,
      %swap3A_263 = vector.shape_cast %swap3A_262 : vector<1x16xi32> to vector<16xi32>
      %swap3A_264 = vector.shape_cast %add3A_259 : vector<16xi32> to vector<1x16xi32>
      tpu.vector_store %arg5[%swap3A_260, %swap3A_261], %swap3A_264 {strides = array<i32>} : memref<192x128xi32, #tpu.memory_space<vmem>>, vector<1x16xi32>,
      %mul3A_265 = arith.constant 128 : i32
      %mul3A_266 = arith.muli %add3A_112, %mul3A_265 : i32
      %add3A_267 = arith.constant 112 : i32
      %add3A_268 = arith.addi %mul3A_266, %add3A_267 : i32
      %add3A_269 = vector.broadcast %add3A_268 : i32 to vector<16xi32>
      %add3A_270 = arith.addi %add3A_269, %iota3A : vector<16xi32>
      %rem3A_271 = arith.constant 48 : i32
      %rem3A_272 = vector.broadcast %rem3A_271 : i32 to vector<16xi32>
      %rem3A_273 = arith.remsi %add3A_270, %rem3A_272 : vector<16xi32>
      %mul3A_274 = arith.constant 256 : i32
      %mul3A_275 = vector.broadcast %mul3A_274 : i32 to vector<16xi32>
      %mul3A_276 = arith.muli %rem3A_273, %mul3A_275 : vector<16xi32>
      %get3A_277 = arith.index_cast %add3A_112 : i32 to index
      %get3A_278 = arith.constant 112 : index
      %get3A_279 = tpu.vector_load %arg5[%get3A_277, %get3A_278] {strides = array<i32>} : memref<192x128xi32, #tpu.memory_space<vmem>>, vector<1x16xi32>,
      %get3A_280 = vector.shape_cast %get3A_279 : vector<1x16xi32> to vector<16xi32>
      %add3A_281 = arith.addi %get3A_280, %mul3A_276 : vector<16xi32>
      %swap3A_282 = arith.index_cast %add3A_112 : i32 to index
      %swap3A_283 = arith.constant 112 : index
      %swap3A_284 = tpu.vector_load %arg5[%swap3A_282, %swap3A_283] {strides = array<i32>} : memref<192x128xi32, #tpu.memory_space<vmem>>, vector<1x16xi32>,
      %swap3A_285 = vector.shape_cast %swap3A_284 : vector<1x16xi32> to vector<16xi32>
      %swap3A_286 = vector.shape_cast %add3A_281 : vector<16xi32> to vector<1x16xi32>
      tpu.vector_store %arg5[%swap3A_282, %swap3A_283], %swap3A_286 {strides = array<i32>} : memref<192x128xi32, #tpu.memory_space<vmem>>, vector<1x16xi32>,
    }
    %scan3A_13 = arith.constant 8 : i32
    %scan3A_14 = arith.constant 0 : i32
    %scan3A_15 = arith.constant 0 : i32
    %scan3A_16 = arith.constant 8 : i32
    %scan3A_17 = arith.addi %scan3A_15, %scan3A_16 : i32
    %scan3A_18 = arith.constant 1 : i32
    scf.for %scan3A_110 = %scan3A_15 to %scan3A_17 step %scan3A_18  : i32 {
      %mul3A_111 = arith.constant 3 : i32
      %mul3A_112 = arith.muli %mul3A_111, %scan3A_110 : i32
      %add3A_113 = arith.constant 0 : i32
      %add3A_114 = arith.addi %mul3A_112, %add3A_113 : i32
      %rem3A_115 = arith.constant 4 : i32
      %rem3A_116 = arith.remsi %add3A_114, %rem3A_115 : i32
      %ge3A = arith.constant 4 : i32
      %ge3A_117 = arith.cmpi sge, %add3A_114, %ge3A : i32
      %convert_element_type3A = arith.extui %ge3A_117 : i1 to i32
      %cond3A = arith.constant 0 : i32
      %cond3A_118 = arith.cmpi ne, %convert_element_type3A, %cond3A : i32
      scf.if %cond3A_118 {
        %mul3A_512 = arith.constant 24576 : i32
        %mul3A_513 = arith.muli %add3A, %mul3A_512 : i32
        %dma_wait3A_514 = arith.constant 0 : i32
        %dma_wait3A_515 = arith.constant 0 : i32
        %dma_wait3A_516 = tpu.memref_slice %arg6[%rem3A_116, %dma_wait3A_514, %dma_wait3A_515] : memref<4x1024x16xf32, #tpu.memory_space<vmem>> -> memref<1x1024x16xf32, #tpu.memory_space<vmem>>
        %dma_wait3A_517 = tpu.memref_squeeze %dma_wait3A_516 : memref<1x1024x16xf32, #tpu.memory_space<vmem>> -> memref<1024x16xf32, #tpu.memory_space<vmem>>
        %dma_wait3A_518 = arith.constant 0 : i32
        %dma_wait3A_519 = tpu.memref_slice %arg4[%mul3A_513, %dma_wait3A_518] : memref<786432x16xf32, #tpu.memory_space<hbm>> -> memref<1024x16xf32, #tpu.memory_space<hbm>>
        %dma_wait3A_520 = arith.constant 0 : i32
        %dma_wait3A_521 = tpu.memref_slice %arg4[%mul3A_513, %dma_wait3A_520] : memref<786432x16xf32, #tpu.memory_space<hbm>> -> memref<1024x16xf32, #tpu.memory_space<hbm>>
        %dma_wait3A_522 = arith.constant 0 : i32
        %dma_wait3A_523 = arith.constant 0 : i32
        %dma_wait3A_524 = tpu.memref_slice %arg6[%rem3A_116, %dma_wait3A_522, %dma_wait3A_523] : memref<4x1024x16xf32, #tpu.memory_space<vmem>> -> memref<1x1024x16xf32, #tpu.memory_space<vmem>>
        %dma_wait3A_525 = tpu.memref_squeeze %dma_wait3A_524 : memref<1x1024x16xf32, #tpu.memory_space<vmem>> -> memref<1024x16xf32, #tpu.memory_space<vmem>>
        tpu.wait_dma2 semaphore(%arg10 : memref<!tpu.dma_semaphore, #tpu.memory_space<semaphore_mem>>) src(%dma_wait3A_525 : memref<1024x16xf32, #tpu.memory_space<vmem>>) dst(%dma_wait3A_521 : memref<1024x16xf32, #tpu.memory_space<hbm>>)
      } else {
      }
      %mul3A_119 = arith.constant 8 : i32
      %mul3A_120 = arith.muli %add3A_114, %mul3A_119 : i32
      %add3A_121 = arith.constant 0 : i32
      %add3A_122 = arith.addi %mul3A_120, %add3A_121 : i32
      %dma_start3A_123 = arith.constant 0 : i32
      %dma_start3A_124 = arith.constant 0 : i32
      %dma_start3A_125 = tpu.memref_slice %arg6[%rem3A_116, %dma_start3A_123, %dma_start3A_124] : memref<4x1024x16xf32, #tpu.memory_space<vmem>> -> memref<1x128x16xf32, #tpu.memory_space<vmem>>
      %dma_start3A_126 = tpu.memref_squeeze %dma_start3A_125 : memref<1x128x16xf32, #tpu.memory_space<vmem>> -> memref<128x16xf32, #tpu.memory_space<vmem>>
      %dma_start3A_127 = arith.constant 0 : i32
      %dma_start3A_128 = tpu.memref_slice %arg5[%add3A_122, %dma_start3A_127] : memref<192x128xi32, #tpu.memory_space<vmem>> -> memref<1x128xi32, #tpu.memory_space<vmem>>
      %dma_start3A_129 = tpu.memref_squeeze %dma_start3A_128 : memref<1x128xi32, #tpu.memory_space<vmem>> -> memref<128xi32, #tpu.memory_space<vmem>>
      %dma_start3A_130 = arith.constant 0 : i32
      %dma_start3A_131 = arith.constant 0 : i32
      %dma_start3A_132 = tpu.memref_slice %arg3[%dma_start3A_130, %dma_start3A_131] : memref<12288x16xf32, #tpu.memory_space<hbm>> -> memref<12288x16xf32, #tpu.memory_space<hbm>>
      tpu.enqueue_indirect_dma source(%dma_start3A_132 : memref<12288x16xf32, #tpu.memory_space<hbm>>) target(%dma_start3A_126 : memref<128x16xf32, #tpu.memory_space<vmem>>) offsets(%dma_start3A_129 : memref<128xi32, #tpu.memory_space<vmem>>) semaphore(%arg7 : memref<!tpu.dma_semaphore, #tpu.memory_space<semaphore_mem>>)
      %mul3A_133 = arith.constant 8 : i32
      %mul3A_134 = arith.muli %add3A_114, %mul3A_133 : i32
      %add3A_135 = arith.constant 1 : i32
      %add3A_136 = arith.addi %mul3A_134, %add3A_135 : i32
      %dma_start3A_137 = arith.constant 128 : i32
      %dma_start3A_138 = arith.constant 0 : i32
      %dma_start3A_139 = tpu.memref_slice %arg6[%rem3A_116, %dma_start3A_137, %dma_start3A_138] : memref<4x1024x16xf32, #tpu.memory_space<vmem>> -> memref<1x128x16xf32, #tpu.memory_space<vmem>>
      %dma_start3A_140 = tpu.memref_squeeze %dma_start3A_139 : memref<1x128x16xf32, #tpu.memory_space<vmem>> -> memref<128x16xf32, #tpu.memory_space<vmem>>
      %dma_start3A_141 = arith.constant 0 : i32
      %dma_start3A_142 = tpu.memref_slice %arg5[%add3A_136, %dma_start3A_141] : memref<192x128xi32, #tpu.memory_space<vmem>> -> memref<1x128xi32, #tpu.memory_space<vmem>>
      %dma_start3A_143 = tpu.memref_squeeze %dma_start3A_142 : memref<1x128xi32, #tpu.memory_space<vmem>> -> memref<128xi32, #tpu.memory_space<vmem>>
      %dma_start3A_144 = arith.constant 0 : i32
      %dma_start3A_145 = arith.constant 0 : i32
      %dma_start3A_146 = tpu.memref_slice %arg3[%dma_start3A_144, %dma_start3A_145] : memref<12288x16xf32, #tpu.memory_space<hbm>> -> memref<12288x16xf32, #tpu.memory_space<hbm>>
      tpu.enqueue_indirect_dma source(%dma_start3A_146 : memref<12288x16xf32, #tpu.memory_space<hbm>>) target(%dma_start3A_140 : memref<128x16xf32, #tpu.memory_space<vmem>>) offsets(%dma_start3A_143 : memref<128xi32, #tpu.memory_space<vmem>>) semaphore(%arg7 : memref<!tpu.dma_semaphore, #tpu.memory_space<semaphore_mem>>)
      %mul3A_147 = arith.constant 8 : i32
      %mul3A_148 = arith.muli %add3A_114, %mul3A_147 : i32
      %add3A_149 = arith.constant 2 : i32
      %add3A_150 = arith.addi %mul3A_148, %add3A_149 : i32
      %dma_start3A_151 = arith.constant 256 : i32
      %dma_start3A_152 = arith.constant 0 : i32
      %dma_start3A_153 = tpu.memref_slice %arg6[%rem3A_116, %dma_start3A_151, %dma_start3A_152] : memref<4x1024x16xf32, #tpu.memory_space<vmem>> -> memref<1x128x16xf32, #tpu.memory_space<vmem>>
      %dma_start3A_154 = tpu.memref_squeeze %dma_start3A_153 : memref<1x128x16xf32, #tpu.memory_space<vmem>> -> memref<128x16xf32, #tpu.memory_space<vmem>>
      %dma_start3A_155 = arith.constant 0 : i32
      %dma_start3A_156 = tpu.memref_slice %arg5[%add3A_150, %dma_start3A_155] : memref<192x128xi32, #tpu.memory_space<vmem>> -> memref<1x128xi32, #tpu.memory_space<vmem>>
      %dma_start3A_157 = tpu.memref_squeeze %dma_start3A_156 : memref<1x128xi32, #tpu.memory_space<vmem>> -> memref<128xi32, #tpu.memory_space<vmem>>
      %dma_start3A_158 = arith.constant 0 : i32
      %dma_start3A_159 = arith.constant 0 : i32
      %dma_start3A_160 = tpu.memref_slice %arg3[%dma_start3A_158, %dma_start3A_159] : memref<12288x16xf32, #tpu.memory_space<hbm>> -> memref<12288x16xf32, #tpu.memory_space<hbm>>
      tpu.enqueue_indirect_dma source(%dma_start3A_160 : memref<12288x16xf32, #tpu.memory_space<hbm>>) target(%dma_start3A_154 : memref<128x16xf32, #tpu.memory_space<vmem>>) offsets(%dma_start3A_157 : memref<128xi32, #tpu.memory_space<vmem>>) semaphore(%arg7 : memref<!tpu.dma_semaphore, #tpu.memory_space<semaphore_mem>>)
      %mul3A_161 = arith.constant 8 : i32
      %mul3A_162 = arith.muli %add3A_114, %mul3A_161 : i32
      %add3A_163 = arith.constant 3 : i32
      %add3A_164 = arith.addi %mul3A_162, %add3A_163 : i32
      %dma_start3A_165 = arith.constant 384 : i32
      %dma_start3A_166 = arith.constant 0 : i32
      %dma_start3A_167 = tpu.memref_slice %arg6[%rem3A_116, %dma_start3A_165, %dma_start3A_166] : memref<4x1024x16xf32, #tpu.memory_space<vmem>> -> memref<1x128x16xf32, #tpu.memory_space<vmem>>
      %dma_start3A_168 = tpu.memref_squeeze %dma_start3A_167 : memref<1x128x16xf32, #tpu.memory_space<vmem>> -> memref<128x16xf32, #tpu.memory_space<vmem>>
      %dma_start3A_169 = arith.constant 0 : i32
      %dma_start3A_170 = tpu.memref_slice %arg5[%add3A_164, %dma_start3A_169] : memref<192x128xi32, #tpu.memory_space<vmem>> -> memref<1x128xi32, #tpu.memory_space<vmem>>
      %dma_start3A_171 = tpu.memref_squeeze %dma_start3A_170 : memref<1x128xi32, #tpu.memory_space<vmem>> -> memref<128xi32, #tpu.memory_space<vmem>>
      %dma_start3A_172 = arith.constant 0 : i32
      %dma_start3A_173 = arith.constant 0 : i32
      %dma_start3A_174 = tpu.memref_slice %arg3[%dma_start3A_172, %dma_start3A_173] : memref<12288x16xf32, #tpu.memory_space<hbm>> -> memref<12288x16xf32, #tpu.memory_space<hbm>>
      tpu.enqueue_indirect_dma source(%dma_start3A_174 : memref<12288x16xf32, #tpu.memory_space<hbm>>) target(%dma_start3A_168 : memref<128x16xf32, #tpu.memory_space<vmem>>) offsets(%dma_start3A_171 : memref<128xi32, #tpu.memory_space<vmem>>) semaphore(%arg7 : memref<!tpu.dma_semaphore, #tpu.memory_space<semaphore_mem>>)
      %mul3A_175 = arith.constant 8 : i32
      %mul3A_176 = arith.muli %add3A_114, %mul3A_175 : i32
      %add3A_177 = arith.constant 4 : i32
      %add3A_178 = arith.addi %mul3A_176, %add3A_177 : i32
      %dma_start3A_179 = arith.constant 512 : i32
      %dma_start3A_180 = arith.constant 0 : i32
      %dma_start3A_181 = tpu.memref_slice %arg6[%rem3A_116, %dma_start3A_179, %dma_start3A_180] : memref<4x1024x16xf32, #tpu.memory_space<vmem>> -> memref<1x128x16xf32, #tpu.memory_space<vmem>>
      %dma_start3A_182 = tpu.memref_squeeze %dma_start3A_181 : memref<1x128x16xf32, #tpu.memory_space<vmem>> -> memref<128x16xf32, #tpu.memory_space<vmem>>
      %dma_start3A_183 = arith.constant 0 : i32
      %dma_start3A_184 = tpu.memref_slice %arg5[%add3A_178, %dma_start3A_183] : memref<192x128xi32, #tpu.memory_space<vmem>> -> memref<1x128xi32, #tpu.memory_space<vmem>>
      %dma_start3A_185 = tpu.memref_squeeze %dma_start3A_184 : memref<1x128xi32, #tpu.memory_space<vmem>> -> memref<128xi32, #tpu.memory_space<vmem>>
      %dma_start3A_186 = arith.constant 0 : i32
      %dma_start3A_187 = arith.constant 0 : i32
      %dma_start3A_188 = tpu.memref_slice %arg3[%dma_start3A_186, %dma_start3A_187] : memref<12288x16xf32, #tpu.memory_space<hbm>> -> memref<12288x16xf32, #tpu.memory_space<hbm>>
      tpu.enqueue_indirect_dma source(%dma_start3A_188 : memref<12288x16xf32, #tpu.memory_space<hbm>>) target(%dma_start3A_182 : memref<128x16xf32, #tpu.memory_space<vmem>>) offsets(%dma_start3A_185 : memref<128xi32, #tpu.memory_space<vmem>>) semaphore(%arg7 : memref<!tpu.dma_semaphore, #tpu.memory_space<semaphore_mem>>)
      %mul3A_189 = arith.constant 8 : i32
      %mul3A_190 = arith.muli %add3A_114, %mul3A_189 : i32
      %add3A_191 = arith.constant 5 : i32
      %add3A_192 = arith.addi %mul3A_190, %add3A_191 : i32
      %dma_start3A_193 = arith.constant 640 : i32
      %dma_start3A_194 = arith.constant 0 : i32
      %dma_start3A_195 = tpu.memref_slice %arg6[%rem3A_116, %dma_start3A_193, %dma_start3A_194] : memref<4x1024x16xf32, #tpu.memory_space<vmem>> -> memref<1x128x16xf32, #tpu.memory_space<vmem>>
      %dma_start3A_196 = tpu.memref_squeeze %dma_start3A_195 : memref<1x128x16xf32, #tpu.memory_space<vmem>> -> memref<128x16xf32, #tpu.memory_space<vmem>>
      %dma_start3A_197 = arith.constant 0 : i32
      %dma_start3A_198 = tpu.memref_slice %arg5[%add3A_192, %dma_start3A_197] : memref<192x128xi32, #tpu.memory_space<vmem>> -> memref<1x128xi32, #tpu.memory_space<vmem>>
      %dma_start3A_199 = tpu.memref_squeeze %dma_start3A_198 : memref<1x128xi32, #tpu.memory_space<vmem>> -> memref<128xi32, #tpu.memory_space<vmem>>
      %dma_start3A_200 = arith.constant 0 : i32
      %dma_start3A_201 = arith.constant 0 : i32
      %dma_start3A_202 = tpu.memref_slice %arg3[%dma_start3A_200, %dma_start3A_201] : memref<12288x16xf32, #tpu.memory_space<hbm>> -> memref<12288x16xf32, #tpu.memory_space<hbm>>
      tpu.enqueue_indirect_dma source(%dma_start3A_202 : memref<12288x16xf32, #tpu.memory_space<hbm>>) target(%dma_start3A_196 : memref<128x16xf32, #tpu.memory_space<vmem>>) offsets(%dma_start3A_199 : memref<128xi32, #tpu.memory_space<vmem>>) semaphore(%arg7 : memref<!tpu.dma_semaphore, #tpu.memory_space<semaphore_mem>>)
      %mul3A_203 = arith.constant 8 : i32
      %mul3A_204 = arith.muli %add3A_114, %mul3A_203 : i32
      %add3A_205 = arith.constant 6 : i32
      %add3A_206 = arith.addi %mul3A_204, %add3A_205 : i32
      %dma_start3A_207 = arith.constant 768 : i32
      %dma_start3A_208 = arith.constant 0 : i32
      %dma_start3A_209 = tpu.memref_slice %arg6[%rem3A_116, %dma_start3A_207, %dma_start3A_208] : memref<4x1024x16xf32, #tpu.memory_space<vmem>> -> memref<1x128x16xf32, #tpu.memory_space<vmem>>
      %dma_start3A_210 = tpu.memref_squeeze %dma_start3A_209 : memref<1x128x16xf32, #tpu.memory_space<vmem>> -> memref<128x16xf32, #tpu.memory_space<vmem>>
      %dma_start3A_211 = arith.constant 0 : i32
      %dma_start3A_212 = tpu.memref_slice %arg5[%add3A_206, %dma_start3A_211] : memref<192x128xi32, #tpu.memory_space<vmem>> -> memref<1x128xi32, #tpu.memory_space<vmem>>
      %dma_start3A_213 = tpu.memref_squeeze %dma_start3A_212 : memref<1x128xi32, #tpu.memory_space<vmem>> -> memref<128xi32, #tpu.memory_space<vmem>>
      %dma_start3A_214 = arith.constant 0 : i32
      %dma_start3A_215 = arith.constant 0 : i32
      %dma_start3A_216 = tpu.memref_slice %arg3[%dma_start3A_214, %dma_start3A_215] : memref<12288x16xf32, #tpu.memory_space<hbm>> -> memref<12288x16xf32, #tpu.memory_space<hbm>>
      tpu.enqueue_indirect_dma source(%dma_start3A_216 : memref<12288x16xf32, #tpu.memory_space<hbm>>) target(%dma_start3A_210 : memref<128x16xf32, #tpu.memory_space<vmem>>) offsets(%dma_start3A_213 : memref<128xi32, #tpu.memory_space<vmem>>) semaphore(%arg7 : memref<!tpu.dma_semaphore, #tpu.memory_space<semaphore_mem>>)
      %mul3A_217 = arith.constant 8 : i32
      %mul3A_218 = arith.muli %add3A_114, %mul3A_217 : i32
      %add3A_219 = arith.constant 7 : i32
      %add3A_220 = arith.addi %mul3A_218, %add3A_219 : i32
      %dma_start3A_221 = arith.constant 896 : i32
      %dma_start3A_222 = arith.constant 0 : i32
      %dma_start3A_223 = tpu.memref_slice %arg6[%rem3A_116, %dma_start3A_221, %dma_start3A_222] : memref<4x1024x16xf32, #tpu.memory_space<vmem>> -> memref<1x128x16xf32, #tpu.memory_space<vmem>>
      %dma_start3A_224 = tpu.memref_squeeze %dma_start3A_223 : memref<1x128x16xf32, #tpu.memory_space<vmem>> -> memref<128x16xf32, #tpu.memory_space<vmem>>
      %dma_start3A_225 = arith.constant 0 : i32
      %dma_start3A_226 = tpu.memref_slice %arg5[%add3A_220, %dma_start3A_225] : memref<192x128xi32, #tpu.memory_space<vmem>> -> memref<1x128xi32, #tpu.memory_space<vmem>>
      %dma_start3A_227 = tpu.memref_squeeze %dma_start3A_226 : memref<1x128xi32, #tpu.memory_space<vmem>> -> memref<128xi32, #tpu.memory_space<vmem>>
      %dma_start3A_228 = arith.constant 0 : i32
      %dma_start3A_229 = arith.constant 0 : i32
      %dma_start3A_230 = tpu.memref_slice %arg3[%dma_start3A_228, %dma_start3A_229] : memref<12288x16xf32, #tpu.memory_space<hbm>> -> memref<12288x16xf32, #tpu.memory_space<hbm>>
      tpu.enqueue_indirect_dma source(%dma_start3A_230 : memref<12288x16xf32, #tpu.memory_space<hbm>>) target(%dma_start3A_224 : memref<128x16xf32, #tpu.memory_space<vmem>>) offsets(%dma_start3A_227 : memref<128xi32, #tpu.memory_space<vmem>>) semaphore(%arg7 : memref<!tpu.dma_semaphore, #tpu.memory_space<semaphore_mem>>)
      %add3A_231 = arith.constant 2 : i32
      %add3A_232 = arith.addi %add3A_114, %add3A_231 : i32
      %lt3A = arith.constant 24 : i32
      %lt3A_233 = arith.cmpi slt, %add3A_232, %lt3A : i32
      %convert_element_type3A_234 = arith.extui %lt3A_233 : i1 to i32
      %cond3A_235 = arith.constant 0 : i32
      %cond3A_236 = arith.cmpi ne, %convert_element_type3A_234, %cond3A_235 : i32
      scf.if %cond3A_236 {
        %add3A_512 = arith.constant 2 : i32
        %add3A_513 = arith.addi %add3A_114, %add3A_512 : i32
        %scan3A_514 = arith.constant 0 : i32
        %scan3A_515 = arith.constant 0 : i32
        %scan3A_516 = arith.constant 8 : i32
        %scan3A_517 = arith.addi %scan3A_515, %scan3A_516 : i32
        %scan3A_518 = arith.constant 1 : i32
        scf.for %scan3A_520 = %scan3A_515 to %scan3A_517 step %scan3A_518  : i32 {
          %mul3A_521 = arith.constant 8 : i32
          %mul3A_522 = arith.muli %add3A_513, %mul3A_521 : i32
          %add3A_523 = arith.addi %mul3A_522, %scan3A_520 : i32
          %mul3A_524 = arith.constant 128 : i32
          %mul3A_525 = arith.muli %add3A_523, %mul3A_524 : i32
          %add3A_526 = arith.constant 0 : i32
          %add3A_527 = arith.addi %mul3A_525, %add3A_526 : i32
          %add3A_528 = vector.broadcast %add3A_527 : i32 to vector<16xi32>
          %add3A_529 = arith.addi %add3A_528, %iota3A : vector<16xi32>
          %rem3A_530 = arith.constant 48 : i32
          %rem3A_531 = vector.broadcast %rem3A_530 : i32 to vector<16xi32>
          %rem3A_532 = arith.remsi %add3A_529, %rem3A_531 : vector<16xi32>
          %mul3A_533 = arith.constant 256 : i32
          %mul3A_534 = vector.broadcast %mul3A_533 : i32 to vector<16xi32>
          %mul3A_535 = arith.muli %rem3A_532, %mul3A_534 : vector<16xi32>
          %get3A = arith.index_cast %add3A_523 : i32 to index
          %get3A_536 = arith.constant 0 : index
          %get3A_537 = tpu.vector_load %arg5[%get3A, %get3A_536] {strides = array<i32>} : memref<192x128xi32, #tpu.memory_space<vmem>>, vector<1x16xi32>,
          %get3A_538 = vector.shape_cast %get3A_537 : vector<1x16xi32> to vector<16xi32>
          %add3A_539 = arith.addi %get3A_538, %mul3A_535 : vector<16xi32>
          %swap3A = arith.index_cast %add3A_523 : i32 to index
          %swap3A_540 = arith.constant 0 : index
          %swap3A_541 = tpu.vector_load %arg5[%swap3A, %swap3A_540] {strides = array<i32>} : memref<192x128xi32, #tpu.memory_space<vmem>>, vector<1x16xi32>,
          %swap3A_542 = vector.shape_cast %swap3A_541 : vector<1x16xi32> to vector<16xi32>
          %swap3A_543 = vector.shape_cast %add3A_539 : vector<16xi32> to vector<1x16xi32>
          tpu.vector_store %arg5[%swap3A, %swap3A_540], %swap3A_543 {strides = array<i32>} : memref<192x128xi32, #tpu.memory_space<vmem>>, vector<1x16xi32>,
          %mul3A_544 = arith.constant 128 : i32
          %mul3A_545 = arith.muli %add3A_523, %mul3A_544 : i32
          %add3A_546 = arith.constant 16 : i32
          %add3A_547 = arith.addi %mul3A_545, %add3A_546 : i32
          %add3A_548 = vector.broadcast %add3A_547 : i32 to vector<16xi32>
          %add3A_549 = arith.addi %add3A_548, %iota3A : vector<16xi32>
          %rem3A_550 = arith.constant 48 : i32
          %rem3A_551 = vector.broadcast %rem3A_550 : i32 to vector<16xi32>
          %rem3A_552 = arith.remsi %add3A_549, %rem3A_551 : vector<16xi32>
          %mul3A_553 = arith.constant 256 : i32
          %mul3A_554 = vector.broadcast %mul3A_553 : i32 to vector<16xi32>
          %mul3A_555 = arith.muli %rem3A_552, %mul3A_554 : vector<16xi32>
          %get3A_556 = arith.index_cast %add3A_523 : i32 to index
          %get3A_557 = arith.constant 16 : index
          %get3A_558 = tpu.vector_load %arg5[%get3A_556, %get3A_557] {strides = array<i32>} : memref<192x128xi32, #tpu.memory_space<vmem>>, vector<1x16xi32>,
          %get3A_559 = vector.shape_cast %get3A_558 : vector<1x16xi32> to vector<16xi32>
          %add3A_560 = arith.addi %get3A_559, %mul3A_555 : vector<16xi32>
          %swap3A_561 = arith.index_cast %add3A_523 : i32 to index
          %swap3A_562 = arith.constant 16 : index
          %swap3A_563 = tpu.vector_load %arg5[%swap3A_561, %swap3A_562] {strides = array<i32>} : memref<192x128xi32, #tpu.memory_space<vmem>>, vector<1x16xi32>,
          %swap3A_564 = vector.shape_cast %swap3A_563 : vector<1x16xi32> to vector<16xi32>
          %swap3A_565 = vector.shape_cast %add3A_560 : vector<16xi32> to vector<1x16xi32>
          tpu.vector_store %arg5[%swap3A_561, %swap3A_562], %swap3A_565 {strides = array<i32>} : memref<192x128xi32, #tpu.memory_space<vmem>>, vector<1x16xi32>,
          %mul3A_566 = arith.constant 128 : i32
          %mul3A_567 = arith.muli %add3A_523, %mul3A_566 : i32
          %add3A_568 = arith.constant 32 : i32
          %add3A_569 = arith.addi %mul3A_567, %add3A_568 : i32
          %add3A_570 = vector.broadcast %add3A_569 : i32 to vector<16xi32>
          %add3A_571 = arith.addi %add3A_570, %iota3A : vector<16xi32>
          %rem3A_572 = arith.constant 48 : i32
          %rem3A_573 = vector.broadcast %rem3A_572 : i32 to vector<16xi32>
          %rem3A_574 = arith.remsi %add3A_571, %rem3A_573 : vector<16xi32>
          %mul3A_575 = arith.constant 256 : i32
          %mul3A_576 = vector.broadcast %mul3A_575 : i32 to vector<16xi32>
          %mul3A_577 = arith.muli %rem3A_574, %mul3A_576 : vector<16xi32>
          %get3A_578 = arith.index_cast %add3A_523 : i32 to index
          %get3A_579 = arith.constant 32 : index
          %get3A_580 = tpu.vector_load %arg5[%get3A_578, %get3A_579] {strides = array<i32>} : memref<192x128xi32, #tpu.memory_space<vmem>>, vector<1x16xi32>,
          %get3A_581 = vector.shape_cast %get3A_580 : vector<1x16xi32> to vector<16xi32>
          %add3A_582 = arith.addi %get3A_581, %mul3A_577 : vector<16xi32>
          %swap3A_583 = arith.index_cast %add3A_523 : i32 to index
          %swap3A_584 = arith.constant 32 : index
          %swap3A_585 = tpu.vector_load %arg5[%swap3A_583, %swap3A_584] {strides = array<i32>} : memref<192x128xi32, #tpu.memory_space<vmem>>, vector<1x16xi32>,
          %swap3A_586 = vector.shape_cast %swap3A_585 : vector<1x16xi32> to vector<16xi32>
          %swap3A_587 = vector.shape_cast %add3A_582 : vector<16xi32> to vector<1x16xi32>
          tpu.vector_store %arg5[%swap3A_583, %swap3A_584], %swap3A_587 {strides = array<i32>} : memref<192x128xi32, #tpu.memory_space<vmem>>, vector<1x16xi32>,
          %mul3A_588 = arith.constant 128 : i32
          %mul3A_589 = arith.muli %add3A_523, %mul3A_588 : i32
          %add3A_590 = arith.constant 48 : i32
          %add3A_591 = arith.addi %mul3A_589, %add3A_590 : i32
          %add3A_592 = vector.broadcast %add3A_591 : i32 to vector<16xi32>
          %add3A_593 = arith.addi %add3A_592, %iota3A : vector<16xi32>
          %rem3A_594 = arith.constant 48 : i32
          %rem3A_595 = vector.broadcast %rem3A_594 : i32 to vector<16xi32>
          %rem3A_596 = arith.remsi %add3A_593, %rem3A_595 : vector<16xi32>
          %mul3A_597 = arith.constant 256 : i32
          %mul3A_598 = vector.broadcast %mul3A_597 : i32 to vector<16xi32>
          %mul3A_599 = arith.muli %rem3A_596, %mul3A_598 : vector<16xi32>
          %get3A_600 = arith.index_cast %add3A_523 : i32 to index
          %get3A_601 = arith.constant 48 : index
          %get3A_602 = tpu.vector_load %arg5[%get3A_600, %get3A_601] {strides = array<i32>} : memref<192x128xi32, #tpu.memory_space<vmem>>, vector<1x16xi32>,
          %get3A_603 = vector.shape_cast %get3A_602 : vector<1x16xi32> to vector<16xi32>
          %add3A_604 = arith.addi %get3A_603, %mul3A_599 : vector<16xi32>
          %swap3A_605 = arith.index_cast %add3A_523 : i32 to index
          %swap3A_606 = arith.constant 48 : index
          %swap3A_607 = tpu.vector_load %arg5[%swap3A_605, %swap3A_606] {strides = array<i32>} : memref<192x128xi32, #tpu.memory_space<vmem>>, vector<1x16xi32>,
          %swap3A_608 = vector.shape_cast %swap3A_607 : vector<1x16xi32> to vector<16xi32>
          %swap3A_609 = vector.shape_cast %add3A_604 : vector<16xi32> to vector<1x16xi32>
          tpu.vector_store %arg5[%swap3A_605, %swap3A_606], %swap3A_609 {strides = array<i32>} : memref<192x128xi32, #tpu.memory_space<vmem>>, vector<1x16xi32>,
          %mul3A_610 = arith.constant 128 : i32
          %mul3A_611 = arith.muli %add3A_523, %mul3A_610 : i32
          %add3A_612 = arith.constant 64 : i32
          %add3A_613 = arith.addi %mul3A_611, %add3A_612 : i32
          %add3A_614 = vector.broadcast %add3A_613 : i32 to vector<16xi32>
          %add3A_615 = arith.addi %add3A_614, %iota3A : vector<16xi32>
          %rem3A_616 = arith.constant 48 : i32
          %rem3A_617 = vector.broadcast %rem3A_616 : i32 to vector<16xi32>
          %rem3A_618 = arith.remsi %add3A_615, %rem3A_617 : vector<16xi32>
          %mul3A_619 = arith.constant 256 : i32
          %mul3A_620 = vector.broadcast %mul3A_619 : i32 to vector<16xi32>
          %mul3A_621 = arith.muli %rem3A_618, %mul3A_620 : vector<16xi32>
          %get3A_622 = arith.index_cast %add3A_523 : i32 to index
          %get3A_623 = arith.constant 64 : index
          %get3A_624 = tpu.vector_load %arg5[%get3A_622, %get3A_623] {strides = array<i32>} : memref<192x128xi32, #tpu.memory_space<vmem>>, vector<1x16xi32>,
          %get3A_625 = vector.shape_cast %get3A_624 : vector<1x16xi32> to vector<16xi32>
          %add3A_626 = arith.addi %get3A_625, %mul3A_621 : vector<16xi32>
          %swap3A_627 = arith.index_cast %add3A_523 : i32 to index
          %swap3A_628 = arith.constant 64 : index
          %swap3A_629 = tpu.vector_load %arg5[%swap3A_627, %swap3A_628] {strides = array<i32>} : memref<192x128xi32, #tpu.memory_space<vmem>>, vector<1x16xi32>,
          %swap3A_630 = vector.shape_cast %swap3A_629 : vector<1x16xi32> to vector<16xi32>
          %swap3A_631 = vector.shape_cast %add3A_626 : vector<16xi32> to vector<1x16xi32>
          tpu.vector_store %arg5[%swap3A_627, %swap3A_628], %swap3A_631 {strides = array<i32>} : memref<192x128xi32, #tpu.memory_space<vmem>>, vector<1x16xi32>,
          %mul3A_632 = arith.constant 128 : i32
          %mul3A_633 = arith.muli %add3A_523, %mul3A_632 : i32
          %add3A_634 = arith.constant 80 : i32
          %add3A_635 = arith.addi %mul3A_633, %add3A_634 : i32
          %add3A_636 = vector.broadcast %add3A_635 : i32 to vector<16xi32>
          %add3A_637 = arith.addi %add3A_636, %iota3A : vector<16xi32>
          %rem3A_638 = arith.constant 48 : i32
          %rem3A_639 = vector.broadcast %rem3A_638 : i32 to vector<16xi32>
          %rem3A_640 = arith.remsi %add3A_637, %rem3A_639 : vector<16xi32>
          %mul3A_641 = arith.constant 256 : i32
          %mul3A_642 = vector.broadcast %mul3A_641 : i32 to vector<16xi32>
          %mul3A_643 = arith.muli %rem3A_640, %mul3A_642 : vector<16xi32>
          %get3A_644 = arith.index_cast %add3A_523 : i32 to index
          %get3A_645 = arith.constant 80 : index
          %get3A_646 = tpu.vector_load %arg5[%get3A_644, %get3A_645] {strides = array<i32>} : memref<192x128xi32, #tpu.memory_space<vmem>>, vector<1x16xi32>,
          %get3A_647 = vector.shape_cast %get3A_646 : vector<1x16xi32> to vector<16xi32>
          %add3A_648 = arith.addi %get3A_647, %mul3A_643 : vector<16xi32>
          %swap3A_649 = arith.index_cast %add3A_523 : i32 to index
          %swap3A_650 = arith.constant 80 : index
          %swap3A_651 = tpu.vector_load %arg5[%swap3A_649, %swap3A_650] {strides = array<i32>} : memref<192x128xi32, #tpu.memory_space<vmem>>, vector<1x16xi32>,
          %swap3A_652 = vector.shape_cast %swap3A_651 : vector<1x16xi32> to vector<16xi32>
          %swap3A_653 = vector.shape_cast %add3A_648 : vector<16xi32> to vector<1x16xi32>
          tpu.vector_store %arg5[%swap3A_649, %swap3A_650], %swap3A_653 {strides = array<i32>} : memref<192x128xi32, #tpu.memory_space<vmem>>, vector<1x16xi32>,
          %mul3A_654 = arith.constant 128 : i32
          %mul3A_655 = arith.muli %add3A_523, %mul3A_654 : i32
          %add3A_656 = arith.constant 96 : i32
          %add3A_657 = arith.addi %mul3A_655, %add3A_656 : i32
          %add3A_658 = vector.broadcast %add3A_657 : i32 to vector<16xi32>
          %add3A_659 = arith.addi %add3A_658, %iota3A : vector<16xi32>
          %rem3A_660 = arith.constant 48 : i32
          %rem3A_661 = vector.broadcast %rem3A_660 : i32 to vector<16xi32>
          %rem3A_662 = arith.remsi %add3A_659, %rem3A_661 : vector<16xi32>
          %mul3A_663 = arith.constant 256 : i32
          %mul3A_664 = vector.broadcast %mul3A_663 : i32 to vector<16xi32>
          %mul3A_665 = arith.muli %rem3A_662, %mul3A_664 : vector<16xi32>
          %get3A_666 = arith.index_cast %add3A_523 : i32 to index
          %get3A_667 = arith.constant 96 : index
          %get3A_668 = tpu.vector_load %arg5[%get3A_666, %get3A_667] {strides = array<i32>} : memref<192x128xi32, #tpu.memory_space<vmem>>, vector<1x16xi32>,
          %get3A_669 = vector.shape_cast %get3A_668 : vector<1x16xi32> to vector<16xi32>
          %add3A_670 = arith.addi %get3A_669, %mul3A_665 : vector<16xi32>
          %swap3A_671 = arith.index_cast %add3A_523 : i32 to index
          %swap3A_672 = arith.constant 96 : index
          %swap3A_673 = tpu.vector_load %arg5[%swap3A_671, %swap3A_672] {strides = array<i32>} : memref<192x128xi32, #tpu.memory_space<vmem>>, vector<1x16xi32>,
          %swap3A_674 = vector.shape_cast %swap3A_673 : vector<1x16xi32> to vector<16xi32>
          %swap3A_675 = vector.shape_cast %add3A_670 : vector<16xi32> to vector<1x16xi32>
          tpu.vector_store %arg5[%swap3A_671, %swap3A_672], %swap3A_675 {strides = array<i32>} : memref<192x128xi32, #tpu.memory_space<vmem>>, vector<1x16xi32>,
          %mul3A_676 = arith.constant 128 : i32
          %mul3A_677 = arith.muli %add3A_523, %mul3A_676 : i32
          %add3A_678 = arith.constant 112 : i32
          %add3A_679 = arith.addi %mul3A_677, %add3A_678 : i32
          %add3A_680 = vector.broadcast %add3A_679 : i32 to vector<16xi32>
          %add3A_681 = arith.addi %add3A_680, %iota3A : vector<16xi32>
          %rem3A_682 = arith.constant 48 : i32
          %rem3A_683 = vector.broadcast %rem3A_682 : i32 to vector<16xi32>
          %rem3A_684 = arith.remsi %add3A_681, %rem3A_683 : vector<16xi32>
          %mul3A_685 = arith.constant 256 : i32
          %mul3A_686 = vector.broadcast %mul3A_685 : i32 to vector<16xi32>
          %mul3A_687 = arith.muli %rem3A_684, %mul3A_686 : vector<16xi32>
          %get3A_688 = arith.index_cast %add3A_523 : i32 to index
          %get3A_689 = arith.constant 112 : index
          %get3A_690 = tpu.vector_load %arg5[%get3A_688, %get3A_689] {strides = array<i32>} : memref<192x128xi32, #tpu.memory_space<vmem>>, vector<1x16xi32>,
          %get3A_691 = vector.shape_cast %get3A_690 : vector<1x16xi32> to vector<16xi32>
          %add3A_692 = arith.addi %get3A_691, %mul3A_687 : vector<16xi32>
          %swap3A_693 = arith.index_cast %add3A_523 : i32 to index
          %swap3A_694 = arith.constant 112 : index
          %swap3A_695 = tpu.vector_load %arg5[%swap3A_693, %swap3A_694] {strides = array<i32>} : memref<192x128xi32, #tpu.memory_space<vmem>>, vector<1x16xi32>,
          %swap3A_696 = vector.shape_cast %swap3A_695 : vector<1x16xi32> to vector<16xi32>
          %swap3A_697 = vector.shape_cast %add3A_692 : vector<16xi32> to vector<1x16xi32>
          tpu.vector_store %arg5[%swap3A_693, %swap3A_694], %swap3A_697 {strides = array<i32>} : memref<192x128xi32, #tpu.memory_space<vmem>>, vector<1x16xi32>,
        }
        %scan3A_519 = arith.constant 8 : i32
      } else {
      }
      %ge3A_237 = arith.constant 1 : i32
      %ge3A_238 = arith.cmpi sge, %add3A_114, %ge3A_237 : i32
      %convert_element_type3A_239 = arith.extui %ge3A_238 : i1 to i32
      %cond3A_240 = arith.constant 0 : i32
      %cond3A_241 = arith.cmpi ne, %convert_element_type3A_239, %cond3A_240 : i32
      scf.if %cond3A_241 {
        %add3A_512 = arith.constant 3 : i32
        %add3A_513 = arith.addi %add3A_114, %add3A_512 : i32
        %rem3A_514 = arith.constant 4 : i32
        %rem3A_515 = arith.remsi %add3A_513, %rem3A_514 : i32
        %dma_wait3A_516 = arith.constant 0 : i32
        %dma_wait3A_517 = arith.constant 0 : i32
        %dma_wait3A_518 = tpu.memref_slice %arg6[%rem3A_515, %dma_wait3A_516, %dma_wait3A_517] : memref<4x1024x16xf32, #tpu.memory_space<vmem>> -> memref<1x1024x16xf32, #tpu.memory_space<vmem>>
        %dma_wait3A_519 = tpu.memref_squeeze %dma_wait3A_518 : memref<1x1024x16xf32, #tpu.memory_space<vmem>> -> memref<1024x16xf32, #tpu.memory_space<vmem>>
        %dma_wait3A_520 = arith.constant 0 : i32
        %dma_wait3A_521 = arith.constant 0 : i32
        %dma_wait3A_522 = tpu.memref_slice %arg4[%dma_wait3A_520, %dma_wait3A_521] : memref<786432x16xf32, #tpu.memory_space<hbm>> -> memref<1024x16xf32, #tpu.memory_space<hbm>>
        %dma_wait3A_523 = arith.constant 0 : i32
        %dma_wait3A_524 = arith.constant 0 : i32
        %dma_wait3A_525 = tpu.memref_slice %arg6[%rem3A_515, %dma_wait3A_523, %dma_wait3A_524] : memref<4x1024x16xf32, #tpu.memory_space<vmem>> -> memref<1x1024x16xf32, #tpu.memory_space<vmem>>
        %dma_wait3A_526 = tpu.memref_squeeze %dma_wait3A_525 : memref<1x1024x16xf32, #tpu.memory_space<vmem>> -> memref<1024x16xf32, #tpu.memory_space<vmem>>
        %dma_wait3A_527 = arith.constant 0 : i32
        %dma_wait3A_528 = arith.constant 0 : i32
        %dma_wait3A_529 = tpu.memref_slice %arg4[%dma_wait3A_527, %dma_wait3A_528] : memref<786432x16xf32, #tpu.memory_space<hbm>> -> memref<1024x16xf32, #tpu.memory_space<hbm>>
        tpu.wait_dma2 semaphore(%arg9 : memref<!tpu.dma_semaphore, #tpu.memory_space<semaphore_mem>>) src(%dma_wait3A_529 : memref<1024x16xf32, #tpu.memory_space<hbm>>) dst(%dma_wait3A_526 : memref<1024x16xf32, #tpu.memory_space<vmem>>)
        %sub3A = arith.constant 1 : i32
        %sub3A_530 = arith.subi %add3A_114, %sub3A : i32
        %mul3A_531 = arith.constant 24576 : i32
        %mul3A_532 = arith.muli %add3A, %mul3A_531 : i32
        %mul3A_533 = arith.constant 1024 : i32
        %mul3A_534 = arith.muli %sub3A_530, %mul3A_533 : i32
        %add3A_535 = arith.addi %mul3A_532, %mul3A_534 : i32
        %dma_start3A_536 = arith.constant 0 : i32
        %dma_start3A_537 = arith.constant 0 : i32
        %dma_start3A_538 = tpu.memref_slice %arg6[%rem3A_515, %dma_start3A_536, %dma_start3A_537] : memref<4x1024x16xf32, #tpu.memory_space<vmem>> -> memref<1x1024x16xf32, #tpu.memory_space<vmem>>
        %dma_start3A_539 = tpu.memref_squeeze %dma_start3A_538 : memref<1x1024x16xf32, #tpu.memory_space<vmem>> -> memref<1024x16xf32, #tpu.memory_space<vmem>>
        %dma_start3A_540 = arith.constant 0 : i32
        %dma_start3A_541 = tpu.memref_slice %arg4[%add3A_535, %dma_start3A_540] : memref<786432x16xf32, #tpu.memory_space<hbm>> -> memref<1024x16xf32, #tpu.memory_space<hbm>>
        %dma_start3A_542 = arith.constant 0 : i32
        %dma_start3A_543 = tpu.memref_slice %arg4[%add3A_535, %dma_start3A_542] : memref<786432x16xf32, #tpu.memory_space<hbm>> -> memref<1024x16xf32, #tpu.memory_space<hbm>>
        %dma_start3A_544 = arith.constant 0 : i32
        %dma_start3A_545 = arith.constant 0 : i32
        %dma_start3A_546 = tpu.memref_slice %arg6[%rem3A_515, %dma_start3A_544, %dma_start3A_545] : memref<4x1024x16xf32, #tpu.memory_space<vmem>> -> memref<1x1024x16xf32, #tpu.memory_space<vmem>>
        %dma_start3A_547 = tpu.memref_squeeze %dma_start3A_546 : memref<1x1024x16xf32, #tpu.memory_space<vmem>> -> memref<1024x16xf32, #tpu.memory_space<vmem>>
        tpu.enqueue_dma source(%dma_start3A_547 : memref<1024x16xf32, #tpu.memory_space<vmem>>) target(%dma_start3A_543 : memref<1024x16xf32, #tpu.memory_space<hbm>>) target_semaphore(%arg10 : memref<!tpu.dma_semaphore, #tpu.memory_space<semaphore_mem>>)
      } else {
      }
      %mul3A_242 = arith.constant 3 : i32
      %mul3A_243 = arith.muli %mul3A_242, %scan3A_110 : i32
      %add3A_244 = arith.constant 1 : i32
      %add3A_245 = arith.addi %mul3A_243, %add3A_244 : i32
      %rem3A_246 = arith.constant 4 : i32
      %rem3A_247 = arith.remsi %add3A_245, %rem3A_246 : i32
      %ge3A_248 = arith.constant 4 : i32
      %ge3A_249 = arith.cmpi sge, %add3A_245, %ge3A_248 : i32
      %convert_element_type3A_250 = arith.extui %ge3A_249 : i1 to i32
      %cond3A_251 = arith.constant 0 : i32
      %cond3A_252 = arith.cmpi ne, %convert_element_type3A_250, %cond3A_251 : i32
      scf.if %cond3A_252 {
        %mul3A_512 = arith.constant 24576 : i32
        %mul3A_513 = arith.muli %add3A, %mul3A_512 : i32
        %dma_wait3A_514 = arith.constant 0 : i32
        %dma_wait3A_515 = arith.constant 0 : i32
        %dma_wait3A_516 = tpu.memref_slice %arg6[%rem3A_247, %dma_wait3A_514, %dma_wait3A_515] : memref<4x1024x16xf32, #tpu.memory_space<vmem>> -> memref<1x1024x16xf32, #tpu.memory_space<vmem>>
        %dma_wait3A_517 = tpu.memref_squeeze %dma_wait3A_516 : memref<1x1024x16xf32, #tpu.memory_space<vmem>> -> memref<1024x16xf32, #tpu.memory_space<vmem>>
        %dma_wait3A_518 = arith.constant 0 : i32
        %dma_wait3A_519 = tpu.memref_slice %arg4[%mul3A_513, %dma_wait3A_518] : memref<786432x16xf32, #tpu.memory_space<hbm>> -> memref<1024x16xf32, #tpu.memory_space<hbm>>
        %dma_wait3A_520 = arith.constant 0 : i32
        %dma_wait3A_521 = tpu.memref_slice %arg4[%mul3A_513, %dma_wait3A_520] : memref<786432x16xf32, #tpu.memory_space<hbm>> -> memref<1024x16xf32, #tpu.memory_space<hbm>>
        %dma_wait3A_522 = arith.constant 0 : i32
        %dma_wait3A_523 = arith.constant 0 : i32
        %dma_wait3A_524 = tpu.memref_slice %arg6[%rem3A_247, %dma_wait3A_522, %dma_wait3A_523] : memref<4x1024x16xf32, #tpu.memory_space<vmem>> -> memref<1x1024x16xf32, #tpu.memory_space<vmem>>
        %dma_wait3A_525 = tpu.memref_squeeze %dma_wait3A_524 : memref<1x1024x16xf32, #tpu.memory_space<vmem>> -> memref<1024x16xf32, #tpu.memory_space<vmem>>
        tpu.wait_dma2 semaphore(%arg10 : memref<!tpu.dma_semaphore, #tpu.memory_space<semaphore_mem>>) src(%dma_wait3A_525 : memref<1024x16xf32, #tpu.memory_space<vmem>>) dst(%dma_wait3A_521 : memref<1024x16xf32, #tpu.memory_space<hbm>>)
      } else {
      }
      %mul3A_253 = arith.constant 8 : i32
      %mul3A_254 = arith.muli %add3A_245, %mul3A_253 : i32
      %add3A_255 = arith.constant 0 : i32
      %add3A_256 = arith.addi %mul3A_254, %add3A_255 : i32
      %dma_start3A_257 = arith.constant 0 : i32
      %dma_start3A_258 = arith.constant 0 : i32
      %dma_start3A_259 = tpu.memref_slice %arg6[%rem3A_247, %dma_start3A_257, %dma_start3A_258] : memref<4x1024x16xf32, #tpu.memory_space<vmem>> -> memref<1x128x16xf32, #tpu.memory_space<vmem>>
      %dma_start3A_260 = tpu.memref_squeeze %dma_start3A_259 : memref<1x128x16xf32, #tpu.memory_space<vmem>> -> memref<128x16xf32, #tpu.memory_space<vmem>>
      %dma_start3A_261 = arith.constant 0 : i32
      %dma_start3A_262 = tpu.memref_slice %arg5[%add3A_256, %dma_start3A_261] : memref<192x128xi32, #tpu.memory_space<vmem>> -> memref<1x128xi32, #tpu.memory_space<vmem>>
      %dma_start3A_263 = tpu.memref_squeeze %dma_start3A_262 : memref<1x128xi32, #tpu.memory_space<vmem>> -> memref<128xi32, #tpu.memory_space<vmem>>
      %dma_start3A_264 = arith.constant 0 : i32
      %dma_start3A_265 = arith.constant 0 : i32
      %dma_start3A_266 = tpu.memref_slice %arg3[%dma_start3A_264, %dma_start3A_265] : memref<12288x16xf32, #tpu.memory_space<hbm>> -> memref<12288x16xf32, #tpu.memory_space<hbm>>
      tpu.enqueue_indirect_dma source(%dma_start3A_266 : memref<12288x16xf32, #tpu.memory_space<hbm>>) target(%dma_start3A_260 : memref<128x16xf32, #tpu.memory_space<vmem>>) offsets(%dma_start3A_263 : memref<128xi32, #tpu.memory_space<vmem>>) semaphore(%arg8 : memref<!tpu.dma_semaphore, #tpu.memory_space<semaphore_mem>>)
      %mul3A_267 = arith.constant 8 : i32
      %mul3A_268 = arith.muli %add3A_245, %mul3A_267 : i32
      %add3A_269 = arith.constant 1 : i32
      %add3A_270 = arith.addi %mul3A_268, %add3A_269 : i32
      %dma_start3A_271 = arith.constant 128 : i32
      %dma_start3A_272 = arith.constant 0 : i32
      %dma_start3A_273 = tpu.memref_slice %arg6[%rem3A_247, %dma_start3A_271, %dma_start3A_272] : memref<4x1024x16xf32, #tpu.memory_space<vmem>> -> memref<1x128x16xf32, #tpu.memory_space<vmem>>
      %dma_start3A_274 = tpu.memref_squeeze %dma_start3A_273 : memref<1x128x16xf32, #tpu.memory_space<vmem>> -> memref<128x16xf32, #tpu.memory_space<vmem>>
      %dma_start3A_275 = arith.constant 0 : i32
      %dma_start3A_276 = tpu.memref_slice %arg5[%add3A_270, %dma_start3A_275] : memref<192x128xi32, #tpu.memory_space<vmem>> -> memref<1x128xi32, #tpu.memory_space<vmem>>
      %dma_start3A_277 = tpu.memref_squeeze %dma_start3A_276 : memref<1x128xi32, #tpu.memory_space<vmem>> -> memref<128xi32, #tpu.memory_space<vmem>>
      %dma_start3A_278 = arith.constant 0 : i32
      %dma_start3A_279 = arith.constant 0 : i32
      %dma_start3A_280 = tpu.memref_slice %arg3[%dma_start3A_278, %dma_start3A_279] : memref<12288x16xf32, #tpu.memory_space<hbm>> -> memref<12288x16xf32, #tpu.memory_space<hbm>>
      tpu.enqueue_indirect_dma source(%dma_start3A_280 : memref<12288x16xf32, #tpu.memory_space<hbm>>) target(%dma_start3A_274 : memref<128x16xf32, #tpu.memory_space<vmem>>) offsets(%dma_start3A_277 : memref<128xi32, #tpu.memory_space<vmem>>) semaphore(%arg8 : memref<!tpu.dma_semaphore, #tpu.memory_space<semaphore_mem>>)
      %mul3A_281 = arith.constant 8 : i32
      %mul3A_282 = arith.muli %add3A_245, %mul3A_281 : i32
      %add3A_283 = arith.constant 2 : i32
      %add3A_284 = arith.addi %mul3A_282, %add3A_283 : i32
      %dma_start3A_285 = arith.constant 256 : i32
      %dma_start3A_286 = arith.constant 0 : i32
      %dma_start3A_287 = tpu.memref_slice %arg6[%rem3A_247, %dma_start3A_285, %dma_start3A_286] : memref<4x1024x16xf32, #tpu.memory_space<vmem>> -> memref<1x128x16xf32, #tpu.memory_space<vmem>>
      %dma_start3A_288 = tpu.memref_squeeze %dma_start3A_287 : memref<1x128x16xf32, #tpu.memory_space<vmem>> -> memref<128x16xf32, #tpu.memory_space<vmem>>
      %dma_start3A_289 = arith.constant 0 : i32
      %dma_start3A_290 = tpu.memref_slice %arg5[%add3A_284, %dma_start3A_289] : memref<192x128xi32, #tpu.memory_space<vmem>> -> memref<1x128xi32, #tpu.memory_space<vmem>>
      %dma_start3A_291 = tpu.memref_squeeze %dma_start3A_290 : memref<1x128xi32, #tpu.memory_space<vmem>> -> memref<128xi32, #tpu.memory_space<vmem>>
      %dma_start3A_292 = arith.constant 0 : i32
      %dma_start3A_293 = arith.constant 0 : i32
      %dma_start3A_294 = tpu.memref_slice %arg3[%dma_start3A_292, %dma_start3A_293] : memref<12288x16xf32, #tpu.memory_space<hbm>> -> memref<12288x16xf32, #tpu.memory_space<hbm>>
      tpu.enqueue_indirect_dma source(%dma_start3A_294 : memref<12288x16xf32, #tpu.memory_space<hbm>>) target(%dma_start3A_288 : memref<128x16xf32, #tpu.memory_space<vmem>>) offsets(%dma_start3A_291 : memref<128xi32, #tpu.memory_space<vmem>>) semaphore(%arg8 : memref<!tpu.dma_semaphore, #tpu.memory_space<semaphore_mem>>)
      %mul3A_295 = arith.constant 8 : i32
      %mul3A_296 = arith.muli %add3A_245, %mul3A_295 : i32
      %add3A_297 = arith.constant 3 : i32
      %add3A_298 = arith.addi %mul3A_296, %add3A_297 : i32
      %dma_start3A_299 = arith.constant 384 : i32
      %dma_start3A_300 = arith.constant 0 : i32
      %dma_start3A_301 = tpu.memref_slice %arg6[%rem3A_247, %dma_start3A_299, %dma_start3A_300] : memref<4x1024x16xf32, #tpu.memory_space<vmem>> -> memref<1x128x16xf32, #tpu.memory_space<vmem>>
      %dma_start3A_302 = tpu.memref_squeeze %dma_start3A_301 : memref<1x128x16xf32, #tpu.memory_space<vmem>> -> memref<128x16xf32, #tpu.memory_space<vmem>>
      %dma_start3A_303 = arith.constant 0 : i32
      %dma_start3A_304 = tpu.memref_slice %arg5[%add3A_298, %dma_start3A_303] : memref<192x128xi32, #tpu.memory_space<vmem>> -> memref<1x128xi32, #tpu.memory_space<vmem>>
      %dma_start3A_305 = tpu.memref_squeeze %dma_start3A_304 : memref<1x128xi32, #tpu.memory_space<vmem>> -> memref<128xi32, #tpu.memory_space<vmem>>
      %dma_start3A_306 = arith.constant 0 : i32
      %dma_start3A_307 = arith.constant 0 : i32
      %dma_start3A_308 = tpu.memref_slice %arg3[%dma_start3A_306, %dma_start3A_307] : memref<12288x16xf32, #tpu.memory_space<hbm>> -> memref<12288x16xf32, #tpu.memory_space<hbm>>
      tpu.enqueue_indirect_dma source(%dma_start3A_308 : memref<12288x16xf32, #tpu.memory_space<hbm>>) target(%dma_start3A_302 : memref<128x16xf32, #tpu.memory_space<vmem>>) offsets(%dma_start3A_305 : memref<128xi32, #tpu.memory_space<vmem>>) semaphore(%arg8 : memref<!tpu.dma_semaphore, #tpu.memory_space<semaphore_mem>>)
      %mul3A_309 = arith.constant 8 : i32
      %mul3A_310 = arith.muli %add3A_245, %mul3A_309 : i32
      %add3A_311 = arith.constant 4 : i32
      %add3A_312 = arith.addi %mul3A_310, %add3A_311 : i32
      %dma_start3A_313 = arith.constant 512 : i32
      %dma_start3A_314 = arith.constant 0 : i32
      %dma_start3A_315 = tpu.memref_slice %arg6[%rem3A_247, %dma_start3A_313, %dma_start3A_314] : memref<4x1024x16xf32, #tpu.memory_space<vmem>> -> memref<1x128x16xf32, #tpu.memory_space<vmem>>
      %dma_start3A_316 = tpu.memref_squeeze %dma_start3A_315 : memref<1x128x16xf32, #tpu.memory_space<vmem>> -> memref<128x16xf32, #tpu.memory_space<vmem>>
      %dma_start3A_317 = arith.constant 0 : i32
      %dma_start3A_318 = tpu.memref_slice %arg5[%add3A_312, %dma_start3A_317] : memref<192x128xi32, #tpu.memory_space<vmem>> -> memref<1x128xi32, #tpu.memory_space<vmem>>
      %dma_start3A_319 = tpu.memref_squeeze %dma_start3A_318 : memref<1x128xi32, #tpu.memory_space<vmem>> -> memref<128xi32, #tpu.memory_space<vmem>>
      %dma_start3A_320 = arith.constant 0 : i32
      %dma_start3A_321 = arith.constant 0 : i32
      %dma_start3A_322 = tpu.memref_slice %arg3[%dma_start3A_320, %dma_start3A_321] : memref<12288x16xf32, #tpu.memory_space<hbm>> -> memref<12288x16xf32, #tpu.memory_space<hbm>>
      tpu.enqueue_indirect_dma source(%dma_start3A_322 : memref<12288x16xf32, #tpu.memory_space<hbm>>) target(%dma_start3A_316 : memref<128x16xf32, #tpu.memory_space<vmem>>) offsets(%dma_start3A_319 : memref<128xi32, #tpu.memory_space<vmem>>) semaphore(%arg8 : memref<!tpu.dma_semaphore, #tpu.memory_space<semaphore_mem>>)
      %mul3A_323 = arith.constant 8 : i32
      %mul3A_324 = arith.muli %add3A_245, %mul3A_323 : i32
      %add3A_325 = arith.constant 5 : i32
      %add3A_326 = arith.addi %mul3A_324, %add3A_325 : i32
      %dma_start3A_327 = arith.constant 640 : i32
      %dma_start3A_328 = arith.constant 0 : i32
      %dma_start3A_329 = tpu.memref_slice %arg6[%rem3A_247, %dma_start3A_327, %dma_start3A_328] : memref<4x1024x16xf32, #tpu.memory_space<vmem>> -> memref<1x128x16xf32, #tpu.memory_space<vmem>>
      %dma_start3A_330 = tpu.memref_squeeze %dma_start3A_329 : memref<1x128x16xf32, #tpu.memory_space<vmem>> -> memref<128x16xf32, #tpu.memory_space<vmem>>
      %dma_start3A_331 = arith.constant 0 : i32
      %dma_start3A_332 = tpu.memref_slice %arg5[%add3A_326, %dma_start3A_331] : memref<192x128xi32, #tpu.memory_space<vmem>> -> memref<1x128xi32, #tpu.memory_space<vmem>>
      %dma_start3A_333 = tpu.memref_squeeze %dma_start3A_332 : memref<1x128xi32, #tpu.memory_space<vmem>> -> memref<128xi32, #tpu.memory_space<vmem>>
      %dma_start3A_334 = arith.constant 0 : i32
      %dma_start3A_335 = arith.constant 0 : i32
      %dma_start3A_336 = tpu.memref_slice %arg3[%dma_start3A_334, %dma_start3A_335] : memref<12288x16xf32, #tpu.memory_space<hbm>> -> memref<12288x16xf32, #tpu.memory_space<hbm>>
      tpu.enqueue_indirect_dma source(%dma_start3A_336 : memref<12288x16xf32, #tpu.memory_space<hbm>>) target(%dma_start3A_330 : memref<128x16xf32, #tpu.memory_space<vmem>>) offsets(%dma_start3A_333 : memref<128xi32, #tpu.memory_space<vmem>>) semaphore(%arg8 : memref<!tpu.dma_semaphore, #tpu.memory_space<semaphore_mem>>)
      %mul3A_337 = arith.constant 8 : i32
      %mul3A_338 = arith.muli %add3A_245, %mul3A_337 : i32
      %add3A_339 = arith.constant 6 : i32
      %add3A_340 = arith.addi %mul3A_338, %add3A_339 : i32
      %dma_start3A_341 = arith.constant 768 : i32
      %dma_start3A_342 = arith.constant 0 : i32
      %dma_start3A_343 = tpu.memref_slice %arg6[%rem3A_247, %dma_start3A_341, %dma_start3A_342] : memref<4x1024x16xf32, #tpu.memory_space<vmem>> -> memref<1x128x16xf32, #tpu.memory_space<vmem>>
      %dma_start3A_344 = tpu.memref_squeeze %dma_start3A_343 : memref<1x128x16xf32, #tpu.memory_space<vmem>> -> memref<128x16xf32, #tpu.memory_space<vmem>>
      %dma_start3A_345 = arith.constant 0 : i32
      %dma_start3A_346 = tpu.memref_slice %arg5[%add3A_340, %dma_start3A_345] : memref<192x128xi32, #tpu.memory_space<vmem>> -> memref<1x128xi32, #tpu.memory_space<vmem>>
      %dma_start3A_347 = tpu.memref_squeeze %dma_start3A_346 : memref<1x128xi32, #tpu.memory_space<vmem>> -> memref<128xi32, #tpu.memory_space<vmem>>
      %dma_start3A_348 = arith.constant 0 : i32
      %dma_start3A_349 = arith.constant 0 : i32
      %dma_start3A_350 = tpu.memref_slice %arg3[%dma_start3A_348, %dma_start3A_349] : memref<12288x16xf32, #tpu.memory_space<hbm>> -> memref<12288x16xf32, #tpu.memory_space<hbm>>
      tpu.enqueue_indirect_dma source(%dma_start3A_350 : memref<12288x16xf32, #tpu.memory_space<hbm>>) target(%dma_start3A_344 : memref<128x16xf32, #tpu.memory_space<vmem>>) offsets(%dma_start3A_347 : memref<128xi32, #tpu.memory_space<vmem>>) semaphore(%arg8 : memref<!tpu.dma_semaphore, #tpu.memory_space<semaphore_mem>>)
      %mul3A_351 = arith.constant 8 : i32
      %mul3A_352 = arith.muli %add3A_245, %mul3A_351 : i32
      %add3A_353 = arith.constant 7 : i32
      %add3A_354 = arith.addi %mul3A_352, %add3A_353 : i32
      %dma_start3A_355 = arith.constant 896 : i32
      %dma_start3A_356 = arith.constant 0 : i32
      %dma_start3A_357 = tpu.memref_slice %arg6[%rem3A_247, %dma_start3A_355, %dma_start3A_356] : memref<4x1024x16xf32, #tpu.memory_space<vmem>> -> memref<1x128x16xf32, #tpu.memory_space<vmem>>
      %dma_start3A_358 = tpu.memref_squeeze %dma_start3A_357 : memref<1x128x16xf32, #tpu.memory_space<vmem>> -> memref<128x16xf32, #tpu.memory_space<vmem>>
      %dma_start3A_359 = arith.constant 0 : i32
      %dma_start3A_360 = tpu.memref_slice %arg5[%add3A_354, %dma_start3A_359] : memref<192x128xi32, #tpu.memory_space<vmem>> -> memref<1x128xi32, #tpu.memory_space<vmem>>
      %dma_start3A_361 = tpu.memref_squeeze %dma_start3A_360 : memref<1x128xi32, #tpu.memory_space<vmem>> -> memref<128xi32, #tpu.memory_space<vmem>>
      %dma_start3A_362 = arith.constant 0 : i32
      %dma_start3A_363 = arith.constant 0 : i32
      %dma_start3A_364 = tpu.memref_slice %arg3[%dma_start3A_362, %dma_start3A_363] : memref<12288x16xf32, #tpu.memory_space<hbm>> -> memref<12288x16xf32, #tpu.memory_space<hbm>>
      tpu.enqueue_indirect_dma source(%dma_start3A_364 : memref<12288x16xf32, #tpu.memory_space<hbm>>) target(%dma_start3A_358 : memref<128x16xf32, #tpu.memory_space<vmem>>) offsets(%dma_start3A_361 : memref<128xi32, #tpu.memory_space<vmem>>) semaphore(%arg8 : memref<!tpu.dma_semaphore, #tpu.memory_space<semaphore_mem>>)
      %add3A_365 = arith.constant 2 : i32
      %add3A_366 = arith.addi %add3A_245, %add3A_365 : i32
      %lt3A_367 = arith.constant 24 : i32
      %lt3A_368 = arith.cmpi slt, %add3A_366, %lt3A_367 : i32
      %convert_element_type3A_369 = arith.extui %lt3A_368 : i1 to i32
      %cond3A_370 = arith.constant 0 : i32
      %cond3A_371 = arith.cmpi ne, %convert_element_type3A_369, %cond3A_370 : i32
      scf.if %cond3A_371 {
        %add3A_512 = arith.constant 2 : i32
        %add3A_513 = arith.addi %add3A_245, %add3A_512 : i32
        %scan3A_514 = arith.constant 0 : i32
        %scan3A_515 = arith.constant 0 : i32
        %scan3A_516 = arith.constant 8 : i32
        %scan3A_517 = arith.addi %scan3A_515, %scan3A_516 : i32
        %scan3A_518 = arith.constant 1 : i32
        scf.for %scan3A_520 = %scan3A_515 to %scan3A_517 step %scan3A_518  : i32 {
          %mul3A_521 = arith.constant 8 : i32
          %mul3A_522 = arith.muli %add3A_513, %mul3A_521 : i32
          %add3A_523 = arith.addi %mul3A_522, %scan3A_520 : i32
          %mul3A_524 = arith.constant 128 : i32
          %mul3A_525 = arith.muli %add3A_523, %mul3A_524 : i32
          %add3A_526 = arith.constant 0 : i32
          %add3A_527 = arith.addi %mul3A_525, %add3A_526 : i32
          %add3A_528 = vector.broadcast %add3A_527 : i32 to vector<16xi32>
          %add3A_529 = arith.addi %add3A_528, %iota3A : vector<16xi32>
          %rem3A_530 = arith.constant 48 : i32
          %rem3A_531 = vector.broadcast %rem3A_530 : i32 to vector<16xi32>
          %rem3A_532 = arith.remsi %add3A_529, %rem3A_531 : vector<16xi32>
          %mul3A_533 = arith.constant 256 : i32
          %mul3A_534 = vector.broadcast %mul3A_533 : i32 to vector<16xi32>
          %mul3A_535 = arith.muli %rem3A_532, %mul3A_534 : vector<16xi32>
          %get3A = arith.index_cast %add3A_523 : i32 to index
          %get3A_536 = arith.constant 0 : index
          %get3A_537 = tpu.vector_load %arg5[%get3A, %get3A_536] {strides = array<i32>} : memref<192x128xi32, #tpu.memory_space<vmem>>, vector<1x16xi32>,
          %get3A_538 = vector.shape_cast %get3A_537 : vector<1x16xi32> to vector<16xi32>
          %add3A_539 = arith.addi %get3A_538, %mul3A_535 : vector<16xi32>
          %swap3A = arith.index_cast %add3A_523 : i32 to index
          %swap3A_540 = arith.constant 0 : index
          %swap3A_541 = tpu.vector_load %arg5[%swap3A, %swap3A_540] {strides = array<i32>} : memref<192x128xi32, #tpu.memory_space<vmem>>, vector<1x16xi32>,
          %swap3A_542 = vector.shape_cast %swap3A_541 : vector<1x16xi32> to vector<16xi32>
          %swap3A_543 = vector.shape_cast %add3A_539 : vector<16xi32> to vector<1x16xi32>
          tpu.vector_store %arg5[%swap3A, %swap3A_540], %swap3A_543 {strides = array<i32>} : memref<192x128xi32, #tpu.memory_space<vmem>>, vector<1x16xi32>,
          %mul3A_544 = arith.constant 128 : i32
          %mul3A_545 = arith.muli %add3A_523, %mul3A_544 : i32
          %add3A_546 = arith.constant 16 : i32
          %add3A_547 = arith.addi %mul3A_545, %add3A_546 : i32
          %add3A_548 = vector.broadcast %add3A_547 : i32 to vector<16xi32>
          %add3A_549 = arith.addi %add3A_548, %iota3A : vector<16xi32>
          %rem3A_550 = arith.constant 48 : i32
          %rem3A_551 = vector.broadcast %rem3A_550 : i32 to vector<16xi32>
          %rem3A_552 = arith.remsi %add3A_549, %rem3A_551 : vector<16xi32>
          %mul3A_553 = arith.constant 256 : i32
          %mul3A_554 = vector.broadcast %mul3A_553 : i32 to vector<16xi32>
          %mul3A_555 = arith.muli %rem3A_552, %mul3A_554 : vector<16xi32>
          %get3A_556 = arith.index_cast %add3A_523 : i32 to index
          %get3A_557 = arith.constant 16 : index
          %get3A_558 = tpu.vector_load %arg5[%get3A_556, %get3A_557] {strides = array<i32>} : memref<192x128xi32, #tpu.memory_space<vmem>>, vector<1x16xi32>,
          %get3A_559 = vector.shape_cast %get3A_558 : vector<1x16xi32> to vector<16xi32>
          %add3A_560 = arith.addi %get3A_559, %mul3A_555 : vector<16xi32>
          %swap3A_561 = arith.index_cast %add3A_523 : i32 to index
          %swap3A_562 = arith.constant 16 : index
          %swap3A_563 = tpu.vector_load %arg5[%swap3A_561, %swap3A_562] {strides = array<i32>} : memref<192x128xi32, #tpu.memory_space<vmem>>, vector<1x16xi32>,
          %swap3A_564 = vector.shape_cast %swap3A_563 : vector<1x16xi32> to vector<16xi32>
          %swap3A_565 = vector.shape_cast %add3A_560 : vector<16xi32> to vector<1x16xi32>
          tpu.vector_store %arg5[%swap3A_561, %swap3A_562], %swap3A_565 {strides = array<i32>} : memref<192x128xi32, #tpu.memory_space<vmem>>, vector<1x16xi32>,
          %mul3A_566 = arith.constant 128 : i32
          %mul3A_567 = arith.muli %add3A_523, %mul3A_566 : i32
          %add3A_568 = arith.constant 32 : i32
          %add3A_569 = arith.addi %mul3A_567, %add3A_568 : i32
          %add3A_570 = vector.broadcast %add3A_569 : i32 to vector<16xi32>
          %add3A_571 = arith.addi %add3A_570, %iota3A : vector<16xi32>
          %rem3A_572 = arith.constant 48 : i32
          %rem3A_573 = vector.broadcast %rem3A_572 : i32 to vector<16xi32>
          %rem3A_574 = arith.remsi %add3A_571, %rem3A_573 : vector<16xi32>
          %mul3A_575 = arith.constant 256 : i32
          %mul3A_576 = vector.broadcast %mul3A_575 : i32 to vector<16xi32>
          %mul3A_577 = arith.muli %rem3A_574, %mul3A_576 : vector<16xi32>
          %get3A_578 = arith.index_cast %add3A_523 : i32 to index
          %get3A_579 = arith.constant 32 : index
          %get3A_580 = tpu.vector_load %arg5[%get3A_578, %get3A_579] {strides = array<i32>} : memref<192x128xi32, #tpu.memory_space<vmem>>, vector<1x16xi32>,
          %get3A_581 = vector.shape_cast %get3A_580 : vector<1x16xi32> to vector<16xi32>
          %add3A_582 = arith.addi %get3A_581, %mul3A_577 : vector<16xi32>
          %swap3A_583 = arith.index_cast %add3A_523 : i32 to index
          %swap3A_584 = arith.constant 32 : index
          %swap3A_585 = tpu.vector_load %arg5[%swap3A_583, %swap3A_584] {strides = array<i32>} : memref<192x128xi32, #tpu.memory_space<vmem>>, vector<1x16xi32>,
          %swap3A_586 = vector.shape_cast %swap3A_585 : vector<1x16xi32> to vector<16xi32>
          %swap3A_587 = vector.shape_cast %add3A_582 : vector<16xi32> to vector<1x16xi32>
          tpu.vector_store %arg5[%swap3A_583, %swap3A_584], %swap3A_587 {strides = array<i32>} : memref<192x128xi32, #tpu.memory_space<vmem>>, vector<1x16xi32>,
          %mul3A_588 = arith.constant 128 : i32
          %mul3A_589 = arith.muli %add3A_523, %mul3A_588 : i32
          %add3A_590 = arith.constant 48 : i32
          %add3A_591 = arith.addi %mul3A_589, %add3A_590 : i32
          %add3A_592 = vector.broadcast %add3A_591 : i32 to vector<16xi32>
          %add3A_593 = arith.addi %add3A_592, %iota3A : vector<16xi32>
          %rem3A_594 = arith.constant 48 : i32
          %rem3A_595 = vector.broadcast %rem3A_594 : i32 to vector<16xi32>
          %rem3A_596 = arith.remsi %add3A_593, %rem3A_595 : vector<16xi32>
          %mul3A_597 = arith.constant 256 : i32
          %mul3A_598 = vector.broadcast %mul3A_597 : i32 to vector<16xi32>
          %mul3A_599 = arith.muli %rem3A_596, %mul3A_598 : vector<16xi32>
          %get3A_600 = arith.index_cast %add3A_523 : i32 to index
          %get3A_601 = arith.constant 48 : index
          %get3A_602 = tpu.vector_load %arg5[%get3A_600, %get3A_601] {strides = array<i32>} : memref<192x128xi32, #tpu.memory_space<vmem>>, vector<1x16xi32>,
          %get3A_603 = vector.shape_cast %get3A_602 : vector<1x16xi32> to vector<16xi32>
          %add3A_604 = arith.addi %get3A_603, %mul3A_599 : vector<16xi32>
          %swap3A_605 = arith.index_cast %add3A_523 : i32 to index
          %swap3A_606 = arith.constant 48 : index
          %swap3A_607 = tpu.vector_load %arg5[%swap3A_605, %swap3A_606] {strides = array<i32>} : memref<192x128xi32, #tpu.memory_space<vmem>>, vector<1x16xi32>,
          %swap3A_608 = vector.shape_cast %swap3A_607 : vector<1x16xi32> to vector<16xi32>
          %swap3A_609 = vector.shape_cast %add3A_604 : vector<16xi32> to vector<1x16xi32>
          tpu.vector_store %arg5[%swap3A_605, %swap3A_606], %swap3A_609 {strides = array<i32>} : memref<192x128xi32, #tpu.memory_space<vmem>>, vector<1x16xi32>,
          %mul3A_610 = arith.constant 128 : i32
          %mul3A_611 = arith.muli %add3A_523, %mul3A_610 : i32
          %add3A_612 = arith.constant 64 : i32
          %add3A_613 = arith.addi %mul3A_611, %add3A_612 : i32
          %add3A_614 = vector.broadcast %add3A_613 : i32 to vector<16xi32>
          %add3A_615 = arith.addi %add3A_614, %iota3A : vector<16xi32>
          %rem3A_616 = arith.constant 48 : i32
          %rem3A_617 = vector.broadcast %rem3A_616 : i32 to vector<16xi32>
          %rem3A_618 = arith.remsi %add3A_615, %rem3A_617 : vector<16xi32>
          %mul3A_619 = arith.constant 256 : i32
          %mul3A_620 = vector.broadcast %mul3A_619 : i32 to vector<16xi32>
          %mul3A_621 = arith.muli %rem3A_618, %mul3A_620 : vector<16xi32>
          %get3A_622 = arith.index_cast %add3A_523 : i32 to index
          %get3A_623 = arith.constant 64 : index
          %get3A_624 = tpu.vector_load %arg5[%get3A_622, %get3A_623] {strides = array<i32>} : memref<192x128xi32, #tpu.memory_space<vmem>>, vector<1x16xi32>,
          %get3A_625 = vector.shape_cast %get3A_624 : vector<1x16xi32> to vector<16xi32>
          %add3A_626 = arith.addi %get3A_625, %mul3A_621 : vector<16xi32>
          %swap3A_627 = arith.index_cast %add3A_523 : i32 to index
          %swap3A_628 = arith.constant 64 : index
          %swap3A_629 = tpu.vector_load %arg5[%swap3A_627, %swap3A_628] {strides = array<i32>} : memref<192x128xi32, #tpu.memory_space<vmem>>, vector<1x16xi32>,
          %swap3A_630 = vector.shape_cast %swap3A_629 : vector<1x16xi32> to vector<16xi32>
          %swap3A_631 = vector.shape_cast %add3A_626 : vector<16xi32> to vector<1x16xi32>
          tpu.vector_store %arg5[%swap3A_627, %swap3A_628], %swap3A_631 {strides = array<i32>} : memref<192x128xi32, #tpu.memory_space<vmem>>, vector<1x16xi32>,
          %mul3A_632 = arith.constant 128 : i32
          %mul3A_633 = arith.muli %add3A_523, %mul3A_632 : i32
          %add3A_634 = arith.constant 80 : i32
          %add3A_635 = arith.addi %mul3A_633, %add3A_634 : i32
          %add3A_636 = vector.broadcast %add3A_635 : i32 to vector<16xi32>
          %add3A_637 = arith.addi %add3A_636, %iota3A : vector<16xi32>
          %rem3A_638 = arith.constant 48 : i32
          %rem3A_639 = vector.broadcast %rem3A_638 : i32 to vector<16xi32>
          %rem3A_640 = arith.remsi %add3A_637, %rem3A_639 : vector<16xi32>
          %mul3A_641 = arith.constant 256 : i32
          %mul3A_642 = vector.broadcast %mul3A_641 : i32 to vector<16xi32>
          %mul3A_643 = arith.muli %rem3A_640, %mul3A_642 : vector<16xi32>
          %get3A_644 = arith.index_cast %add3A_523 : i32 to index
          %get3A_645 = arith.constant 80 : index
          %get3A_646 = tpu.vector_load %arg5[%get3A_644, %get3A_645] {strides = array<i32>} : memref<192x128xi32, #tpu.memory_space<vmem>>, vector<1x16xi32>,
          %get3A_647 = vector.shape_cast %get3A_646 : vector<1x16xi32> to vector<16xi32>
          %add3A_648 = arith.addi %get3A_647, %mul3A_643 : vector<16xi32>
          %swap3A_649 = arith.index_cast %add3A_523 : i32 to index
          %swap3A_650 = arith.constant 80 : index
          %swap3A_651 = tpu.vector_load %arg5[%swap3A_649, %swap3A_650] {strides = array<i32>} : memref<192x128xi32, #tpu.memory_space<vmem>>, vector<1x16xi32>,
          %swap3A_652 = vector.shape_cast %swap3A_651 : vector<1x16xi32> to vector<16xi32>
          %swap3A_653 = vector.shape_cast %add3A_648 : vector<16xi32> to vector<1x16xi32>
          tpu.vector_store %arg5[%swap3A_649, %swap3A_650], %swap3A_653 {strides = array<i32>} : memref<192x128xi32, #tpu.memory_space<vmem>>, vector<1x16xi32>,
          %mul3A_654 = arith.constant 128 : i32
          %mul3A_655 = arith.muli %add3A_523, %mul3A_654 : i32
          %add3A_656 = arith.constant 96 : i32
          %add3A_657 = arith.addi %mul3A_655, %add3A_656 : i32
          %add3A_658 = vector.broadcast %add3A_657 : i32 to vector<16xi32>
          %add3A_659 = arith.addi %add3A_658, %iota3A : vector<16xi32>
          %rem3A_660 = arith.constant 48 : i32
          %rem3A_661 = vector.broadcast %rem3A_660 : i32 to vector<16xi32>
          %rem3A_662 = arith.remsi %add3A_659, %rem3A_661 : vector<16xi32>
          %mul3A_663 = arith.constant 256 : i32
          %mul3A_664 = vector.broadcast %mul3A_663 : i32 to vector<16xi32>
          %mul3A_665 = arith.muli %rem3A_662, %mul3A_664 : vector<16xi32>
          %get3A_666 = arith.index_cast %add3A_523 : i32 to index
          %get3A_667 = arith.constant 96 : index
          %get3A_668 = tpu.vector_load %arg5[%get3A_666, %get3A_667] {strides = array<i32>} : memref<192x128xi32, #tpu.memory_space<vmem>>, vector<1x16xi32>,
          %get3A_669 = vector.shape_cast %get3A_668 : vector<1x16xi32> to vector<16xi32>
          %add3A_670 = arith.addi %get3A_669, %mul3A_665 : vector<16xi32>
          %swap3A_671 = arith.index_cast %add3A_523 : i32 to index
          %swap3A_672 = arith.constant 96 : index
          %swap3A_673 = tpu.vector_load %arg5[%swap3A_671, %swap3A_672] {strides = array<i32>} : memref<192x128xi32, #tpu.memory_space<vmem>>, vector<1x16xi32>,
          %swap3A_674 = vector.shape_cast %swap3A_673 : vector<1x16xi32> to vector<16xi32>
          %swap3A_675 = vector.shape_cast %add3A_670 : vector<16xi32> to vector<1x16xi32>
          tpu.vector_store %arg5[%swap3A_671, %swap3A_672], %swap3A_675 {strides = array<i32>} : memref<192x128xi32, #tpu.memory_space<vmem>>, vector<1x16xi32>,
          %mul3A_676 = arith.constant 128 : i32
          %mul3A_677 = arith.muli %add3A_523, %mul3A_676 : i32
          %add3A_678 = arith.constant 112 : i32
          %add3A_679 = arith.addi %mul3A_677, %add3A_678 : i32
          %add3A_680 = vector.broadcast %add3A_679 : i32 to vector<16xi32>
          %add3A_681 = arith.addi %add3A_680, %iota3A : vector<16xi32>
          %rem3A_682 = arith.constant 48 : i32
          %rem3A_683 = vector.broadcast %rem3A_682 : i32 to vector<16xi32>
          %rem3A_684 = arith.remsi %add3A_681, %rem3A_683 : vector<16xi32>
          %mul3A_685 = arith.constant 256 : i32
          %mul3A_686 = vector.broadcast %mul3A_685 : i32 to vector<16xi32>
          %mul3A_687 = arith.muli %rem3A_684, %mul3A_686 : vector<16xi32>
          %get3A_688 = arith.index_cast %add3A_523 : i32 to index
          %get3A_689 = arith.constant 112 : index
          %get3A_690 = tpu.vector_load %arg5[%get3A_688, %get3A_689] {strides = array<i32>} : memref<192x128xi32, #tpu.memory_space<vmem>>, vector<1x16xi32>,
          %get3A_691 = vector.shape_cast %get3A_690 : vector<1x16xi32> to vector<16xi32>
          %add3A_692 = arith.addi %get3A_691, %mul3A_687 : vector<16xi32>
          %swap3A_693 = arith.index_cast %add3A_523 : i32 to index
          %swap3A_694 = arith.constant 112 : index
          %swap3A_695 = tpu.vector_load %arg5[%swap3A_693, %swap3A_694] {strides = array<i32>} : memref<192x128xi32, #tpu.memory_space<vmem>>, vector<1x16xi32>,
          %swap3A_696 = vector.shape_cast %swap3A_695 : vector<1x16xi32> to vector<16xi32>
          %swap3A_697 = vector.shape_cast %add3A_692 : vector<16xi32> to vector<1x16xi32>
          tpu.vector_store %arg5[%swap3A_693, %swap3A_694], %swap3A_697 {strides = array<i32>} : memref<192x128xi32, #tpu.memory_space<vmem>>, vector<1x16xi32>,
        }
        %scan3A_519 = arith.constant 8 : i32
      } else {
      }
      %ge3A_372 = arith.constant 1 : i32
      %ge3A_373 = arith.cmpi sge, %add3A_245, %ge3A_372 : i32
      %convert_element_type3A_374 = arith.extui %ge3A_373 : i1 to i32
      %cond3A_375 = arith.constant 0 : i32
      %cond3A_376 = arith.cmpi ne, %convert_element_type3A_374, %cond3A_375 : i32
      scf.if %cond3A_376 {
        %add3A_512 = arith.constant 3 : i32
        %add3A_513 = arith.addi %add3A_245, %add3A_512 : i32
        %rem3A_514 = arith.constant 4 : i32
        %rem3A_515 = arith.remsi %add3A_513, %rem3A_514 : i32
        %dma_wait3A_516 = arith.constant 0 : i32
        %dma_wait3A_517 = arith.constant 0 : i32
        %dma_wait3A_518 = tpu.memref_slice %arg6[%rem3A_515, %dma_wait3A_516, %dma_wait3A_517] : memref<4x1024x16xf32, #tpu.memory_space<vmem>> -> memref<1x1024x16xf32, #tpu.memory_space<vmem>>
        %dma_wait3A_519 = tpu.memref_squeeze %dma_wait3A_518 : memref<1x1024x16xf32, #tpu.memory_space<vmem>> -> memref<1024x16xf32, #tpu.memory_space<vmem>>
        %dma_wait3A_520 = arith.constant 0 : i32
        %dma_wait3A_521 = arith.constant 0 : i32
        %dma_wait3A_522 = tpu.memref_slice %arg4[%dma_wait3A_520, %dma_wait3A_521] : memref<786432x16xf32, #tpu.memory_space<hbm>> -> memref<1024x16xf32, #tpu.memory_space<hbm>>
        %dma_wait3A_523 = arith.constant 0 : i32
        %dma_wait3A_524 = arith.constant 0 : i32
        %dma_wait3A_525 = tpu.memref_slice %arg6[%rem3A_515, %dma_wait3A_523, %dma_wait3A_524] : memref<4x1024x16xf32, #tpu.memory_space<vmem>> -> memref<1x1024x16xf32, #tpu.memory_space<vmem>>
        %dma_wait3A_526 = tpu.memref_squeeze %dma_wait3A_525 : memref<1x1024x16xf32, #tpu.memory_space<vmem>> -> memref<1024x16xf32, #tpu.memory_space<vmem>>
        %dma_wait3A_527 = arith.constant 0 : i32
        %dma_wait3A_528 = arith.constant 0 : i32
        %dma_wait3A_529 = tpu.memref_slice %arg4[%dma_wait3A_527, %dma_wait3A_528] : memref<786432x16xf32, #tpu.memory_space<hbm>> -> memref<1024x16xf32, #tpu.memory_space<hbm>>
        tpu.wait_dma2 semaphore(%arg7 : memref<!tpu.dma_semaphore, #tpu.memory_space<semaphore_mem>>) src(%dma_wait3A_529 : memref<1024x16xf32, #tpu.memory_space<hbm>>) dst(%dma_wait3A_526 : memref<1024x16xf32, #tpu.memory_space<vmem>>)
        %sub3A = arith.constant 1 : i32
        %sub3A_530 = arith.subi %add3A_245, %sub3A : i32
        %mul3A_531 = arith.constant 24576 : i32
        %mul3A_532 = arith.muli %add3A, %mul3A_531 : i32
        %mul3A_533 = arith.constant 1024 : i32
        %mul3A_534 = arith.muli %sub3A_530, %mul3A_533 : i32
        %add3A_535 = arith.addi %mul3A_532, %mul3A_534 : i32
        %dma_start3A_536 = arith.constant 0 : i32
        %dma_start3A_537 = arith.constant 0 : i32
        %dma_start3A_538 = tpu.memref_slice %arg6[%rem3A_515, %dma_start3A_536, %dma_start3A_537] : memref<4x1024x16xf32, #tpu.memory_space<vmem>> -> memref<1x1024x16xf32, #tpu.memory_space<vmem>>
        %dma_start3A_539 = tpu.memref_squeeze %dma_start3A_538 : memref<1x1024x16xf32, #tpu.memory_space<vmem>> -> memref<1024x16xf32, #tpu.memory_space<vmem>>
        %dma_start3A_540 = arith.constant 0 : i32
        %dma_start3A_541 = tpu.memref_slice %arg4[%add3A_535, %dma_start3A_540] : memref<786432x16xf32, #tpu.memory_space<hbm>> -> memref<1024x16xf32, #tpu.memory_space<hbm>>
        %dma_start3A_542 = arith.constant 0 : i32
        %dma_start3A_543 = tpu.memref_slice %arg4[%add3A_535, %dma_start3A_542] : memref<786432x16xf32, #tpu.memory_space<hbm>> -> memref<1024x16xf32, #tpu.memory_space<hbm>>
        %dma_start3A_544 = arith.constant 0 : i32
        %dma_start3A_545 = arith.constant 0 : i32
        %dma_start3A_546 = tpu.memref_slice %arg6[%rem3A_515, %dma_start3A_544, %dma_start3A_545] : memref<4x1024x16xf32, #tpu.memory_space<vmem>> -> memref<1x1024x16xf32, #tpu.memory_space<vmem>>
        %dma_start3A_547 = tpu.memref_squeeze %dma_start3A_546 : memref<1x1024x16xf32, #tpu.memory_space<vmem>> -> memref<1024x16xf32, #tpu.memory_space<vmem>>
        tpu.enqueue_dma source(%dma_start3A_547 : memref<1024x16xf32, #tpu.memory_space<vmem>>) target(%dma_start3A_543 : memref<1024x16xf32, #tpu.memory_space<hbm>>) target_semaphore(%arg10 : memref<!tpu.dma_semaphore, #tpu.memory_space<semaphore_mem>>)
      } else {
      }
      %mul3A_377 = arith.constant 3 : i32
      %mul3A_378 = arith.muli %mul3A_377, %scan3A_110 : i32
      %add3A_379 = arith.constant 2 : i32
      %add3A_380 = arith.addi %mul3A_378, %add3A_379 : i32
      %rem3A_381 = arith.constant 4 : i32
      %rem3A_382 = arith.remsi %add3A_380, %rem3A_381 : i32
      %ge3A_383 = arith.constant 4 : i32
      %ge3A_384 = arith.cmpi sge, %add3A_380, %ge3A_383 : i32
      %convert_element_type3A_385 = arith.extui %ge3A_384 : i1 to i32
      %cond3A_386 = arith.constant 0 : i32
      %cond3A_387 = arith.cmpi ne, %convert_element_type3A_385, %cond3A_386 : i32
      scf.if %cond3A_387 {
        %mul3A_512 = arith.constant 24576 : i32
        %mul3A_513 = arith.muli %add3A, %mul3A_512 : i32
        %dma_wait3A_514 = arith.constant 0 : i32
        %dma_wait3A_515 = arith.constant 0 : i32
        %dma_wait3A_516 = tpu.memref_slice %arg6[%rem3A_382, %dma_wait3A_514, %dma_wait3A_515] : memref<4x1024x16xf32, #tpu.memory_space<vmem>> -> memref<1x1024x16xf32, #tpu.memory_space<vmem>>
        %dma_wait3A_517 = tpu.memref_squeeze %dma_wait3A_516 : memref<1x1024x16xf32, #tpu.memory_space<vmem>> -> memref<1024x16xf32, #tpu.memory_space<vmem>>
        %dma_wait3A_518 = arith.constant 0 : i32
        %dma_wait3A_519 = tpu.memref_slice %arg4[%mul3A_513, %dma_wait3A_518] : memref<786432x16xf32, #tpu.memory_space<hbm>> -> memref<1024x16xf32, #tpu.memory_space<hbm>>
        %dma_wait3A_520 = arith.constant 0 : i32
        %dma_wait3A_521 = tpu.memref_slice %arg4[%mul3A_513, %dma_wait3A_520] : memref<786432x16xf32, #tpu.memory_space<hbm>> -> memref<1024x16xf32, #tpu.memory_space<hbm>>
        %dma_wait3A_522 = arith.constant 0 : i32
        %dma_wait3A_523 = arith.constant 0 : i32
        %dma_wait3A_524 = tpu.memref_slice %arg6[%rem3A_382, %dma_wait3A_522, %dma_wait3A_523] : memref<4x1024x16xf32, #tpu.memory_space<vmem>> -> memref<1x1024x16xf32, #tpu.memory_space<vmem>>
        %dma_wait3A_525 = tpu.memref_squeeze %dma_wait3A_524 : memref<1x1024x16xf32, #tpu.memory_space<vmem>> -> memref<1024x16xf32, #tpu.memory_space<vmem>>
        tpu.wait_dma2 semaphore(%arg10 : memref<!tpu.dma_semaphore, #tpu.memory_space<semaphore_mem>>) src(%dma_wait3A_525 : memref<1024x16xf32, #tpu.memory_space<vmem>>) dst(%dma_wait3A_521 : memref<1024x16xf32, #tpu.memory_space<hbm>>)
      } else {
      }
      %mul3A_388 = arith.constant 8 : i32
      %mul3A_389 = arith.muli %add3A_380, %mul3A_388 : i32
      %add3A_390 = arith.constant 0 : i32
      %add3A_391 = arith.addi %mul3A_389, %add3A_390 : i32
      %dma_start3A_392 = arith.constant 0 : i32
      %dma_start3A_393 = arith.constant 0 : i32
      %dma_start3A_394 = tpu.memref_slice %arg6[%rem3A_382, %dma_start3A_392, %dma_start3A_393] : memref<4x1024x16xf32, #tpu.memory_space<vmem>> -> memref<1x128x16xf32, #tpu.memory_space<vmem>>
      %dma_start3A_395 = tpu.memref_squeeze %dma_start3A_394 : memref<1x128x16xf32, #tpu.memory_space<vmem>> -> memref<128x16xf32, #tpu.memory_space<vmem>>
      %dma_start3A_396 = arith.constant 0 : i32
      %dma_start3A_397 = tpu.memref_slice %arg5[%add3A_391, %dma_start3A_396] : memref<192x128xi32, #tpu.memory_space<vmem>> -> memref<1x128xi32, #tpu.memory_space<vmem>>
      %dma_start3A_398 = tpu.memref_squeeze %dma_start3A_397 : memref<1x128xi32, #tpu.memory_space<vmem>> -> memref<128xi32, #tpu.memory_space<vmem>>
      %dma_start3A_399 = arith.constant 0 : i32
      %dma_start3A_400 = arith.constant 0 : i32
      %dma_start3A_401 = tpu.memref_slice %arg3[%dma_start3A_399, %dma_start3A_400] : memref<12288x16xf32, #tpu.memory_space<hbm>> -> memref<12288x16xf32, #tpu.memory_space<hbm>>
      tpu.enqueue_indirect_dma source(%dma_start3A_401 : memref<12288x16xf32, #tpu.memory_space<hbm>>) target(%dma_start3A_395 : memref<128x16xf32, #tpu.memory_space<vmem>>) offsets(%dma_start3A_398 : memref<128xi32, #tpu.memory_space<vmem>>) semaphore(%arg9 : memref<!tpu.dma_semaphore, #tpu.memory_space<semaphore_mem>>)
      %mul3A_402 = arith.constant 8 : i32
      %mul3A_403 = arith.muli %add3A_380, %mul3A_402 : i32
      %add3A_404 = arith.constant 1 : i32
      %add3A_405 = arith.addi %mul3A_403, %add3A_404 : i32
      %dma_start3A_406 = arith.constant 128 : i32
      %dma_start3A_407 = arith.constant 0 : i32
      %dma_start3A_408 = tpu.memref_slice %arg6[%rem3A_382, %dma_start3A_406, %dma_start3A_407] : memref<4x1024x16xf32, #tpu.memory_space<vmem>> -> memref<1x128x16xf32, #tpu.memory_space<vmem>>
      %dma_start3A_409 = tpu.memref_squeeze %dma_start3A_408 : memref<1x128x16xf32, #tpu.memory_space<vmem>> -> memref<128x16xf32, #tpu.memory_space<vmem>>
      %dma_start3A_410 = arith.constant 0 : i32
      %dma_start3A_411 = tpu.memref_slice %arg5[%add3A_405, %dma_start3A_410] : memref<192x128xi32, #tpu.memory_space<vmem>> -> memref<1x128xi32, #tpu.memory_space<vmem>>
      %dma_start3A_412 = tpu.memref_squeeze %dma_start3A_411 : memref<1x128xi32, #tpu.memory_space<vmem>> -> memref<128xi32, #tpu.memory_space<vmem>>
      %dma_start3A_413 = arith.constant 0 : i32
      %dma_start3A_414 = arith.constant 0 : i32
      %dma_start3A_415 = tpu.memref_slice %arg3[%dma_start3A_413, %dma_start3A_414] : memref<12288x16xf32, #tpu.memory_space<hbm>> -> memref<12288x16xf32, #tpu.memory_space<hbm>>
      tpu.enqueue_indirect_dma source(%dma_start3A_415 : memref<12288x16xf32, #tpu.memory_space<hbm>>) target(%dma_start3A_409 : memref<128x16xf32, #tpu.memory_space<vmem>>) offsets(%dma_start3A_412 : memref<128xi32, #tpu.memory_space<vmem>>) semaphore(%arg9 : memref<!tpu.dma_semaphore, #tpu.memory_space<semaphore_mem>>)
      %mul3A_416 = arith.constant 8 : i32
      %mul3A_417 = arith.muli %add3A_380, %mul3A_416 : i32
      %add3A_418 = arith.constant 2 : i32
      %add3A_419 = arith.addi %mul3A_417, %add3A_418 : i32
      %dma_start3A_420 = arith.constant 256 : i32
      %dma_start3A_421 = arith.constant 0 : i32
      %dma_start3A_422 = tpu.memref_slice %arg6[%rem3A_382, %dma_start3A_420, %dma_start3A_421] : memref<4x1024x16xf32, #tpu.memory_space<vmem>> -> memref<1x128x16xf32, #tpu.memory_space<vmem>>
      %dma_start3A_423 = tpu.memref_squeeze %dma_start3A_422 : memref<1x128x16xf32, #tpu.memory_space<vmem>> -> memref<128x16xf32, #tpu.memory_space<vmem>>
      %dma_start3A_424 = arith.constant 0 : i32
      %dma_start3A_425 = tpu.memref_slice %arg5[%add3A_419, %dma_start3A_424] : memref<192x128xi32, #tpu.memory_space<vmem>> -> memref<1x128xi32, #tpu.memory_space<vmem>>
      %dma_start3A_426 = tpu.memref_squeeze %dma_start3A_425 : memref<1x128xi32, #tpu.memory_space<vmem>> -> memref<128xi32, #tpu.memory_space<vmem>>
      %dma_start3A_427 = arith.constant 0 : i32
      %dma_start3A_428 = arith.constant 0 : i32
      %dma_start3A_429 = tpu.memref_slice %arg3[%dma_start3A_427, %dma_start3A_428] : memref<12288x16xf32, #tpu.memory_space<hbm>> -> memref<12288x16xf32, #tpu.memory_space<hbm>>
      tpu.enqueue_indirect_dma source(%dma_start3A_429 : memref<12288x16xf32, #tpu.memory_space<hbm>>) target(%dma_start3A_423 : memref<128x16xf32, #tpu.memory_space<vmem>>) offsets(%dma_start3A_426 : memref<128xi32, #tpu.memory_space<vmem>>) semaphore(%arg9 : memref<!tpu.dma_semaphore, #tpu.memory_space<semaphore_mem>>)
      %mul3A_430 = arith.constant 8 : i32
      %mul3A_431 = arith.muli %add3A_380, %mul3A_430 : i32
      %add3A_432 = arith.constant 3 : i32
      %add3A_433 = arith.addi %mul3A_431, %add3A_432 : i32
      %dma_start3A_434 = arith.constant 384 : i32
      %dma_start3A_435 = arith.constant 0 : i32
      %dma_start3A_436 = tpu.memref_slice %arg6[%rem3A_382, %dma_start3A_434, %dma_start3A_435] : memref<4x1024x16xf32, #tpu.memory_space<vmem>> -> memref<1x128x16xf32, #tpu.memory_space<vmem>>
      %dma_start3A_437 = tpu.memref_squeeze %dma_start3A_436 : memref<1x128x16xf32, #tpu.memory_space<vmem>> -> memref<128x16xf32, #tpu.memory_space<vmem>>
      %dma_start3A_438 = arith.constant 0 : i32
      %dma_start3A_439 = tpu.memref_slice %arg5[%add3A_433, %dma_start3A_438] : memref<192x128xi32, #tpu.memory_space<vmem>> -> memref<1x128xi32, #tpu.memory_space<vmem>>
      %dma_start3A_440 = tpu.memref_squeeze %dma_start3A_439 : memref<1x128xi32, #tpu.memory_space<vmem>> -> memref<128xi32, #tpu.memory_space<vmem>>
      %dma_start3A_441 = arith.constant 0 : i32
      %dma_start3A_442 = arith.constant 0 : i32
      %dma_start3A_443 = tpu.memref_slice %arg3[%dma_start3A_441, %dma_start3A_442] : memref<12288x16xf32, #tpu.memory_space<hbm>> -> memref<12288x16xf32, #tpu.memory_space<hbm>>
      tpu.enqueue_indirect_dma source(%dma_start3A_443 : memref<12288x16xf32, #tpu.memory_space<hbm>>) target(%dma_start3A_437 : memref<128x16xf32, #tpu.memory_space<vmem>>) offsets(%dma_start3A_440 : memref<128xi32, #tpu.memory_space<vmem>>) semaphore(%arg9 : memref<!tpu.dma_semaphore, #tpu.memory_space<semaphore_mem>>)
      %mul3A_444 = arith.constant 8 : i32
      %mul3A_445 = arith.muli %add3A_380, %mul3A_444 : i32
      %add3A_446 = arith.constant 4 : i32
      %add3A_447 = arith.addi %mul3A_445, %add3A_446 : i32
      %dma_start3A_448 = arith.constant 512 : i32
      %dma_start3A_449 = arith.constant 0 : i32
      %dma_start3A_450 = tpu.memref_slice %arg6[%rem3A_382, %dma_start3A_448, %dma_start3A_449] : memref<4x1024x16xf32, #tpu.memory_space<vmem>> -> memref<1x128x16xf32, #tpu.memory_space<vmem>>
      %dma_start3A_451 = tpu.memref_squeeze %dma_start3A_450 : memref<1x128x16xf32, #tpu.memory_space<vmem>> -> memref<128x16xf32, #tpu.memory_space<vmem>>
      %dma_start3A_452 = arith.constant 0 : i32
      %dma_start3A_453 = tpu.memref_slice %arg5[%add3A_447, %dma_start3A_452] : memref<192x128xi32, #tpu.memory_space<vmem>> -> memref<1x128xi32, #tpu.memory_space<vmem>>
      %dma_start3A_454 = tpu.memref_squeeze %dma_start3A_453 : memref<1x128xi32, #tpu.memory_space<vmem>> -> memref<128xi32, #tpu.memory_space<vmem>>
      %dma_start3A_455 = arith.constant 0 : i32
      %dma_start3A_456 = arith.constant 0 : i32
      %dma_start3A_457 = tpu.memref_slice %arg3[%dma_start3A_455, %dma_start3A_456] : memref<12288x16xf32, #tpu.memory_space<hbm>> -> memref<12288x16xf32, #tpu.memory_space<hbm>>
      tpu.enqueue_indirect_dma source(%dma_start3A_457 : memref<12288x16xf32, #tpu.memory_space<hbm>>) target(%dma_start3A_451 : memref<128x16xf32, #tpu.memory_space<vmem>>) offsets(%dma_start3A_454 : memref<128xi32, #tpu.memory_space<vmem>>) semaphore(%arg9 : memref<!tpu.dma_semaphore, #tpu.memory_space<semaphore_mem>>)
      %mul3A_458 = arith.constant 8 : i32
      %mul3A_459 = arith.muli %add3A_380, %mul3A_458 : i32
      %add3A_460 = arith.constant 5 : i32
      %add3A_461 = arith.addi %mul3A_459, %add3A_460 : i32
      %dma_start3A_462 = arith.constant 640 : i32
      %dma_start3A_463 = arith.constant 0 : i32
      %dma_start3A_464 = tpu.memref_slice %arg6[%rem3A_382, %dma_start3A_462, %dma_start3A_463] : memref<4x1024x16xf32, #tpu.memory_space<vmem>> -> memref<1x128x16xf32, #tpu.memory_space<vmem>>
      %dma_start3A_465 = tpu.memref_squeeze %dma_start3A_464 : memref<1x128x16xf32, #tpu.memory_space<vmem>> -> memref<128x16xf32, #tpu.memory_space<vmem>>
      %dma_start3A_466 = arith.constant 0 : i32
      %dma_start3A_467 = tpu.memref_slice %arg5[%add3A_461, %dma_start3A_466] : memref<192x128xi32, #tpu.memory_space<vmem>> -> memref<1x128xi32, #tpu.memory_space<vmem>>
      %dma_start3A_468 = tpu.memref_squeeze %dma_start3A_467 : memref<1x128xi32, #tpu.memory_space<vmem>> -> memref<128xi32, #tpu.memory_space<vmem>>
      %dma_start3A_469 = arith.constant 0 : i32
      %dma_start3A_470 = arith.constant 0 : i32
      %dma_start3A_471 = tpu.memref_slice %arg3[%dma_start3A_469, %dma_start3A_470] : memref<12288x16xf32, #tpu.memory_space<hbm>> -> memref<12288x16xf32, #tpu.memory_space<hbm>>
      tpu.enqueue_indirect_dma source(%dma_start3A_471 : memref<12288x16xf32, #tpu.memory_space<hbm>>) target(%dma_start3A_465 : memref<128x16xf32, #tpu.memory_space<vmem>>) offsets(%dma_start3A_468 : memref<128xi32, #tpu.memory_space<vmem>>) semaphore(%arg9 : memref<!tpu.dma_semaphore, #tpu.memory_space<semaphore_mem>>)
      %mul3A_472 = arith.constant 8 : i32
      %mul3A_473 = arith.muli %add3A_380, %mul3A_472 : i32
      %add3A_474 = arith.constant 6 : i32
      %add3A_475 = arith.addi %mul3A_473, %add3A_474 : i32
      %dma_start3A_476 = arith.constant 768 : i32
      %dma_start3A_477 = arith.constant 0 : i32
      %dma_start3A_478 = tpu.memref_slice %arg6[%rem3A_382, %dma_start3A_476, %dma_start3A_477] : memref<4x1024x16xf32, #tpu.memory_space<vmem>> -> memref<1x128x16xf32, #tpu.memory_space<vmem>>
      %dma_start3A_479 = tpu.memref_squeeze %dma_start3A_478 : memref<1x128x16xf32, #tpu.memory_space<vmem>> -> memref<128x16xf32, #tpu.memory_space<vmem>>
      %dma_start3A_480 = arith.constant 0 : i32
      %dma_start3A_481 = tpu.memref_slice %arg5[%add3A_475, %dma_start3A_480] : memref<192x128xi32, #tpu.memory_space<vmem>> -> memref<1x128xi32, #tpu.memory_space<vmem>>
      %dma_start3A_482 = tpu.memref_squeeze %dma_start3A_481 : memref<1x128xi32, #tpu.memory_space<vmem>> -> memref<128xi32, #tpu.memory_space<vmem>>
      %dma_start3A_483 = arith.constant 0 : i32
      %dma_start3A_484 = arith.constant 0 : i32
      %dma_start3A_485 = tpu.memref_slice %arg3[%dma_start3A_483, %dma_start3A_484] : memref<12288x16xf32, #tpu.memory_space<hbm>> -> memref<12288x16xf32, #tpu.memory_space<hbm>>
      tpu.enqueue_indirect_dma source(%dma_start3A_485 : memref<12288x16xf32, #tpu.memory_space<hbm>>) target(%dma_start3A_479 : memref<128x16xf32, #tpu.memory_space<vmem>>) offsets(%dma_start3A_482 : memref<128xi32, #tpu.memory_space<vmem>>) semaphore(%arg9 : memref<!tpu.dma_semaphore, #tpu.memory_space<semaphore_mem>>)
      %mul3A_486 = arith.constant 8 : i32
      %mul3A_487 = arith.muli %add3A_380, %mul3A_486 : i32
      %add3A_488 = arith.constant 7 : i32
      %add3A_489 = arith.addi %mul3A_487, %add3A_488 : i32
      %dma_start3A_490 = arith.constant 896 : i32
      %dma_start3A_491 = arith.constant 0 : i32
      %dma_start3A_492 = tpu.memref_slice %arg6[%rem3A_382, %dma_start3A_490, %dma_start3A_491] : memref<4x1024x16xf32, #tpu.memory_space<vmem>> -> memref<1x128x16xf32, #tpu.memory_space<vmem>>
      %dma_start3A_493 = tpu.memref_squeeze %dma_start3A_492 : memref<1x128x16xf32, #tpu.memory_space<vmem>> -> memref<128x16xf32, #tpu.memory_space<vmem>>
      %dma_start3A_494 = arith.constant 0 : i32
      %dma_start3A_495 = tpu.memref_slice %arg5[%add3A_489, %dma_start3A_494] : memref<192x128xi32, #tpu.memory_space<vmem>> -> memref<1x128xi32, #tpu.memory_space<vmem>>
      %dma_start3A_496 = tpu.memref_squeeze %dma_start3A_495 : memref<1x128xi32, #tpu.memory_space<vmem>> -> memref<128xi32, #tpu.memory_space<vmem>>
      %dma_start3A_497 = arith.constant 0 : i32
      %dma_start3A_498 = arith.constant 0 : i32
      %dma_start3A_499 = tpu.memref_slice %arg3[%dma_start3A_497, %dma_start3A_498] : memref<12288x16xf32, #tpu.memory_space<hbm>> -> memref<12288x16xf32, #tpu.memory_space<hbm>>
      tpu.enqueue_indirect_dma source(%dma_start3A_499 : memref<12288x16xf32, #tpu.memory_space<hbm>>) target(%dma_start3A_493 : memref<128x16xf32, #tpu.memory_space<vmem>>) offsets(%dma_start3A_496 : memref<128xi32, #tpu.memory_space<vmem>>) semaphore(%arg9 : memref<!tpu.dma_semaphore, #tpu.memory_space<semaphore_mem>>)
      %add3A_500 = arith.constant 2 : i32
      %add3A_501 = arith.addi %add3A_380, %add3A_500 : i32
      %lt3A_502 = arith.constant 24 : i32
      %lt3A_503 = arith.cmpi slt, %add3A_501, %lt3A_502 : i32
      %convert_element_type3A_504 = arith.extui %lt3A_503 : i1 to i32
      %cond3A_505 = arith.constant 0 : i32
      %cond3A_506 = arith.cmpi ne, %convert_element_type3A_504, %cond3A_505 : i32
      scf.if %cond3A_506 {
        %add3A_512 = arith.constant 2 : i32
        %add3A_513 = arith.addi %add3A_380, %add3A_512 : i32
        %scan3A_514 = arith.constant 0 : i32
        %scan3A_515 = arith.constant 0 : i32
        %scan3A_516 = arith.constant 8 : i32
        %scan3A_517 = arith.addi %scan3A_515, %scan3A_516 : i32
        %scan3A_518 = arith.constant 1 : i32
        scf.for %scan3A_520 = %scan3A_515 to %scan3A_517 step %scan3A_518  : i32 {
          %mul3A_521 = arith.constant 8 : i32
          %mul3A_522 = arith.muli %add3A_513, %mul3A_521 : i32
          %add3A_523 = arith.addi %mul3A_522, %scan3A_520 : i32
          %mul3A_524 = arith.constant 128 : i32
          %mul3A_525 = arith.muli %add3A_523, %mul3A_524 : i32
          %add3A_526 = arith.constant 0 : i32
          %add3A_527 = arith.addi %mul3A_525, %add3A_526 : i32
          %add3A_528 = vector.broadcast %add3A_527 : i32 to vector<16xi32>
          %add3A_529 = arith.addi %add3A_528, %iota3A : vector<16xi32>
          %rem3A_530 = arith.constant 48 : i32
          %rem3A_531 = vector.broadcast %rem3A_530 : i32 to vector<16xi32>
          %rem3A_532 = arith.remsi %add3A_529, %rem3A_531 : vector<16xi32>
          %mul3A_533 = arith.constant 256 : i32
          %mul3A_534 = vector.broadcast %mul3A_533 : i32 to vector<16xi32>
          %mul3A_535 = arith.muli %rem3A_532, %mul3A_534 : vector<16xi32>
          %get3A = arith.index_cast %add3A_523 : i32 to index
          %get3A_536 = arith.constant 0 : index
          %get3A_537 = tpu.vector_load %arg5[%get3A, %get3A_536] {strides = array<i32>} : memref<192x128xi32, #tpu.memory_space<vmem>>, vector<1x16xi32>,
          %get3A_538 = vector.shape_cast %get3A_537 : vector<1x16xi32> to vector<16xi32>
          %add3A_539 = arith.addi %get3A_538, %mul3A_535 : vector<16xi32>
          %swap3A = arith.index_cast %add3A_523 : i32 to index
          %swap3A_540 = arith.constant 0 : index
          %swap3A_541 = tpu.vector_load %arg5[%swap3A, %swap3A_540] {strides = array<i32>} : memref<192x128xi32, #tpu.memory_space<vmem>>, vector<1x16xi32>,
          %swap3A_542 = vector.shape_cast %swap3A_541 : vector<1x16xi32> to vector<16xi32>
          %swap3A_543 = vector.shape_cast %add3A_539 : vector<16xi32> to vector<1x16xi32>
          tpu.vector_store %arg5[%swap3A, %swap3A_540], %swap3A_543 {strides = array<i32>} : memref<192x128xi32, #tpu.memory_space<vmem>>, vector<1x16xi32>,
          %mul3A_544 = arith.constant 128 : i32
          %mul3A_545 = arith.muli %add3A_523, %mul3A_544 : i32
          %add3A_546 = arith.constant 16 : i32
          %add3A_547 = arith.addi %mul3A_545, %add3A_546 : i32
          %add3A_548 = vector.broadcast %add3A_547 : i32 to vector<16xi32>
          %add3A_549 = arith.addi %add3A_548, %iota3A : vector<16xi32>
          %rem3A_550 = arith.constant 48 : i32
          %rem3A_551 = vector.broadcast %rem3A_550 : i32 to vector<16xi32>
          %rem3A_552 = arith.remsi %add3A_549, %rem3A_551 : vector<16xi32>
          %mul3A_553 = arith.constant 256 : i32
          %mul3A_554 = vector.broadcast %mul3A_553 : i32 to vector<16xi32>
          %mul3A_555 = arith.muli %rem3A_552, %mul3A_554 : vector<16xi32>
          %get3A_556 = arith.index_cast %add3A_523 : i32 to index
          %get3A_557 = arith.constant 16 : index
          %get3A_558 = tpu.vector_load %arg5[%get3A_556, %get3A_557] {strides = array<i32>} : memref<192x128xi32, #tpu.memory_space<vmem>>, vector<1x16xi32>,
          %get3A_559 = vector.shape_cast %get3A_558 : vector<1x16xi32> to vector<16xi32>
          %add3A_560 = arith.addi %get3A_559, %mul3A_555 : vector<16xi32>
          %swap3A_561 = arith.index_cast %add3A_523 : i32 to index
          %swap3A_562 = arith.constant 16 : index
          %swap3A_563 = tpu.vector_load %arg5[%swap3A_561, %swap3A_562] {strides = array<i32>} : memref<192x128xi32, #tpu.memory_space<vmem>>, vector<1x16xi32>,
          %swap3A_564 = vector.shape_cast %swap3A_563 : vector<1x16xi32> to vector<16xi32>
          %swap3A_565 = vector.shape_cast %add3A_560 : vector<16xi32> to vector<1x16xi32>
          tpu.vector_store %arg5[%swap3A_561, %swap3A_562], %swap3A_565 {strides = array<i32>} : memref<192x128xi32, #tpu.memory_space<vmem>>, vector<1x16xi32>,
          %mul3A_566 = arith.constant 128 : i32
          %mul3A_567 = arith.muli %add3A_523, %mul3A_566 : i32
          %add3A_568 = arith.constant 32 : i32
          %add3A_569 = arith.addi %mul3A_567, %add3A_568 : i32
          %add3A_570 = vector.broadcast %add3A_569 : i32 to vector<16xi32>
          %add3A_571 = arith.addi %add3A_570, %iota3A : vector<16xi32>
          %rem3A_572 = arith.constant 48 : i32
          %rem3A_573 = vector.broadcast %rem3A_572 : i32 to vector<16xi32>
          %rem3A_574 = arith.remsi %add3A_571, %rem3A_573 : vector<16xi32>
          %mul3A_575 = arith.constant 256 : i32
          %mul3A_576 = vector.broadcast %mul3A_575 : i32 to vector<16xi32>
          %mul3A_577 = arith.muli %rem3A_574, %mul3A_576 : vector<16xi32>
          %get3A_578 = arith.index_cast %add3A_523 : i32 to index
          %get3A_579 = arith.constant 32 : index
          %get3A_580 = tpu.vector_load %arg5[%get3A_578, %get3A_579] {strides = array<i32>} : memref<192x128xi32, #tpu.memory_space<vmem>>, vector<1x16xi32>,
          %get3A_581 = vector.shape_cast %get3A_580 : vector<1x16xi32> to vector<16xi32>
          %add3A_582 = arith.addi %get3A_581, %mul3A_577 : vector<16xi32>
          %swap3A_583 = arith.index_cast %add3A_523 : i32 to index
          %swap3A_584 = arith.constant 32 : index
          %swap3A_585 = tpu.vector_load %arg5[%swap3A_583, %swap3A_584] {strides = array<i32>} : memref<192x128xi32, #tpu.memory_space<vmem>>, vector<1x16xi32>,
          %swap3A_586 = vector.shape_cast %swap3A_585 : vector<1x16xi32> to vector<16xi32>
          %swap3A_587 = vector.shape_cast %add3A_582 : vector<16xi32> to vector<1x16xi32>
          tpu.vector_store %arg5[%swap3A_583, %swap3A_584], %swap3A_587 {strides = array<i32>} : memref<192x128xi32, #tpu.memory_space<vmem>>, vector<1x16xi32>,
          %mul3A_588 = arith.constant 128 : i32
          %mul3A_589 = arith.muli %add3A_523, %mul3A_588 : i32
          %add3A_590 = arith.constant 48 : i32
          %add3A_591 = arith.addi %mul3A_589, %add3A_590 : i32
          %add3A_592 = vector.broadcast %add3A_591 : i32 to vector<16xi32>
          %add3A_593 = arith.addi %add3A_592, %iota3A : vector<16xi32>
          %rem3A_594 = arith.constant 48 : i32
          %rem3A_595 = vector.broadcast %rem3A_594 : i32 to vector<16xi32>
          %rem3A_596 = arith.remsi %add3A_593, %rem3A_595 : vector<16xi32>
          %mul3A_597 = arith.constant 256 : i32
          %mul3A_598 = vector.broadcast %mul3A_597 : i32 to vector<16xi32>
          %mul3A_599 = arith.muli %rem3A_596, %mul3A_598 : vector<16xi32>
          %get3A_600 = arith.index_cast %add3A_523 : i32 to index
          %get3A_601 = arith.constant 48 : index
          %get3A_602 = tpu.vector_load %arg5[%get3A_600, %get3A_601] {strides = array<i32>} : memref<192x128xi32, #tpu.memory_space<vmem>>, vector<1x16xi32>,
          %get3A_603 = vector.shape_cast %get3A_602 : vector<1x16xi32> to vector<16xi32>
          %add3A_604 = arith.addi %get3A_603, %mul3A_599 : vector<16xi32>
          %swap3A_605 = arith.index_cast %add3A_523 : i32 to index
          %swap3A_606 = arith.constant 48 : index
          %swap3A_607 = tpu.vector_load %arg5[%swap3A_605, %swap3A_606] {strides = array<i32>} : memref<192x128xi32, #tpu.memory_space<vmem>>, vector<1x16xi32>,
          %swap3A_608 = vector.shape_cast %swap3A_607 : vector<1x16xi32> to vector<16xi32>
          %swap3A_609 = vector.shape_cast %add3A_604 : vector<16xi32> to vector<1x16xi32>
          tpu.vector_store %arg5[%swap3A_605, %swap3A_606], %swap3A_609 {strides = array<i32>} : memref<192x128xi32, #tpu.memory_space<vmem>>, vector<1x16xi32>,
          %mul3A_610 = arith.constant 128 : i32
          %mul3A_611 = arith.muli %add3A_523, %mul3A_610 : i32
          %add3A_612 = arith.constant 64 : i32
          %add3A_613 = arith.addi %mul3A_611, %add3A_612 : i32
          %add3A_614 = vector.broadcast %add3A_613 : i32 to vector<16xi32>
          %add3A_615 = arith.addi %add3A_614, %iota3A : vector<16xi32>
          %rem3A_616 = arith.constant 48 : i32
          %rem3A_617 = vector.broadcast %rem3A_616 : i32 to vector<16xi32>
          %rem3A_618 = arith.remsi %add3A_615, %rem3A_617 : vector<16xi32>
          %mul3A_619 = arith.constant 256 : i32
          %mul3A_620 = vector.broadcast %mul3A_619 : i32 to vector<16xi32>
          %mul3A_621 = arith.muli %rem3A_618, %mul3A_620 : vector<16xi32>
          %get3A_622 = arith.index_cast %add3A_523 : i32 to index
          %get3A_623 = arith.constant 64 : index
          %get3A_624 = tpu.vector_load %arg5[%get3A_622, %get3A_623] {strides = array<i32>} : memref<192x128xi32, #tpu.memory_space<vmem>>, vector<1x16xi32>,
          %get3A_625 = vector.shape_cast %get3A_624 : vector<1x16xi32> to vector<16xi32>
          %add3A_626 = arith.addi %get3A_625, %mul3A_621 : vector<16xi32>
          %swap3A_627 = arith.index_cast %add3A_523 : i32 to index
          %swap3A_628 = arith.constant 64 : index
          %swap3A_629 = tpu.vector_load %arg5[%swap3A_627, %swap3A_628] {strides = array<i32>} : memref<192x128xi32, #tpu.memory_space<vmem>>, vector<1x16xi32>,
          %swap3A_630 = vector.shape_cast %swap3A_629 : vector<1x16xi32> to vector<16xi32>
          %swap3A_631 = vector.shape_cast %add3A_626 : vector<16xi32> to vector<1x16xi32>
          tpu.vector_store %arg5[%swap3A_627, %swap3A_628], %swap3A_631 {strides = array<i32>} : memref<192x128xi32, #tpu.memory_space<vmem>>, vector<1x16xi32>,
          %mul3A_632 = arith.constant 128 : i32
          %mul3A_633 = arith.muli %add3A_523, %mul3A_632 : i32
          %add3A_634 = arith.constant 80 : i32
          %add3A_635 = arith.addi %mul3A_633, %add3A_634 : i32
          %add3A_636 = vector.broadcast %add3A_635 : i32 to vector<16xi32>
          %add3A_637 = arith.addi %add3A_636, %iota3A : vector<16xi32>
          %rem3A_638 = arith.constant 48 : i32
          %rem3A_639 = vector.broadcast %rem3A_638 : i32 to vector<16xi32>
          %rem3A_640 = arith.remsi %add3A_637, %rem3A_639 : vector<16xi32>
          %mul3A_641 = arith.constant 256 : i32
          %mul3A_642 = vector.broadcast %mul3A_641 : i32 to vector<16xi32>
          %mul3A_643 = arith.muli %rem3A_640, %mul3A_642 : vector<16xi32>
          %get3A_644 = arith.index_cast %add3A_523 : i32 to index
          %get3A_645 = arith.constant 80 : index
          %get3A_646 = tpu.vector_load %arg5[%get3A_644, %get3A_645] {strides = array<i32>} : memref<192x128xi32, #tpu.memory_space<vmem>>, vector<1x16xi32>,
          %get3A_647 = vector.shape_cast %get3A_646 : vector<1x16xi32> to vector<16xi32>
          %add3A_648 = arith.addi %get3A_647, %mul3A_643 : vector<16xi32>
          %swap3A_649 = arith.index_cast %add3A_523 : i32 to index
          %swap3A_650 = arith.constant 80 : index
          %swap3A_651 = tpu.vector_load %arg5[%swap3A_649, %swap3A_650] {strides = array<i32>} : memref<192x128xi32, #tpu.memory_space<vmem>>, vector<1x16xi32>,
          %swap3A_652 = vector.shape_cast %swap3A_651 : vector<1x16xi32> to vector<16xi32>
          %swap3A_653 = vector.shape_cast %add3A_648 : vector<16xi32> to vector<1x16xi32>
          tpu.vector_store %arg5[%swap3A_649, %swap3A_650], %swap3A_653 {strides = array<i32>} : memref<192x128xi32, #tpu.memory_space<vmem>>, vector<1x16xi32>,
          %mul3A_654 = arith.constant 128 : i32
          %mul3A_655 = arith.muli %add3A_523, %mul3A_654 : i32
          %add3A_656 = arith.constant 96 : i32
          %add3A_657 = arith.addi %mul3A_655, %add3A_656 : i32
          %add3A_658 = vector.broadcast %add3A_657 : i32 to vector<16xi32>
          %add3A_659 = arith.addi %add3A_658, %iota3A : vector<16xi32>
          %rem3A_660 = arith.constant 48 : i32
          %rem3A_661 = vector.broadcast %rem3A_660 : i32 to vector<16xi32>
          %rem3A_662 = arith.remsi %add3A_659, %rem3A_661 : vector<16xi32>
          %mul3A_663 = arith.constant 256 : i32
          %mul3A_664 = vector.broadcast %mul3A_663 : i32 to vector<16xi32>
          %mul3A_665 = arith.muli %rem3A_662, %mul3A_664 : vector<16xi32>
          %get3A_666 = arith.index_cast %add3A_523 : i32 to index
          %get3A_667 = arith.constant 96 : index
          %get3A_668 = tpu.vector_load %arg5[%get3A_666, %get3A_667] {strides = array<i32>} : memref<192x128xi32, #tpu.memory_space<vmem>>, vector<1x16xi32>,
          %get3A_669 = vector.shape_cast %get3A_668 : vector<1x16xi32> to vector<16xi32>
          %add3A_670 = arith.addi %get3A_669, %mul3A_665 : vector<16xi32>
          %swap3A_671 = arith.index_cast %add3A_523 : i32 to index
          %swap3A_672 = arith.constant 96 : index
          %swap3A_673 = tpu.vector_load %arg5[%swap3A_671, %swap3A_672] {strides = array<i32>} : memref<192x128xi32, #tpu.memory_space<vmem>>, vector<1x16xi32>,
          %swap3A_674 = vector.shape_cast %swap3A_673 : vector<1x16xi32> to vector<16xi32>
          %swap3A_675 = vector.shape_cast %add3A_670 : vector<16xi32> to vector<1x16xi32>
          tpu.vector_store %arg5[%swap3A_671, %swap3A_672], %swap3A_675 {strides = array<i32>} : memref<192x128xi32, #tpu.memory_space<vmem>>, vector<1x16xi32>,
          %mul3A_676 = arith.constant 128 : i32
          %mul3A_677 = arith.muli %add3A_523, %mul3A_676 : i32
          %add3A_678 = arith.constant 112 : i32
          %add3A_679 = arith.addi %mul3A_677, %add3A_678 : i32
          %add3A_680 = vector.broadcast %add3A_679 : i32 to vector<16xi32>
          %add3A_681 = arith.addi %add3A_680, %iota3A : vector<16xi32>
          %rem3A_682 = arith.constant 48 : i32
          %rem3A_683 = vector.broadcast %rem3A_682 : i32 to vector<16xi32>
          %rem3A_684 = arith.remsi %add3A_681, %rem3A_683 : vector<16xi32>
          %mul3A_685 = arith.constant 256 : i32
          %mul3A_686 = vector.broadcast %mul3A_685 : i32 to vector<16xi32>
          %mul3A_687 = arith.muli %rem3A_684, %mul3A_686 : vector<16xi32>
          %get3A_688 = arith.index_cast %add3A_523 : i32 to index
          %get3A_689 = arith.constant 112 : index
          %get3A_690 = tpu.vector_load %arg5[%get3A_688, %get3A_689] {strides = array<i32>} : memref<192x128xi32, #tpu.memory_space<vmem>>, vector<1x16xi32>,
          %get3A_691 = vector.shape_cast %get3A_690 : vector<1x16xi32> to vector<16xi32>
          %add3A_692 = arith.addi %get3A_691, %mul3A_687 : vector<16xi32>
          %swap3A_693 = arith.index_cast %add3A_523 : i32 to index
          %swap3A_694 = arith.constant 112 : index
          %swap3A_695 = tpu.vector_load %arg5[%swap3A_693, %swap3A_694] {strides = array<i32>} : memref<192x128xi32, #tpu.memory_space<vmem>>, vector<1x16xi32>,
          %swap3A_696 = vector.shape_cast %swap3A_695 : vector<1x16xi32> to vector<16xi32>
          %swap3A_697 = vector.shape_cast %add3A_692 : vector<16xi32> to vector<1x16xi32>
          tpu.vector_store %arg5[%swap3A_693, %swap3A_694], %swap3A_697 {strides = array<i32>} : memref<192x128xi32, #tpu.memory_space<vmem>>, vector<1x16xi32>,
        }
        %scan3A_519 = arith.constant 8 : i32
      } else {
      }
      %ge3A_507 = arith.constant 1 : i32
      %ge3A_508 = arith.cmpi sge, %add3A_380, %ge3A_507 : i32
      %convert_element_type3A_509 = arith.extui %ge3A_508 : i1 to i32
      %cond3A_510 = arith.constant 0 : i32
      %cond3A_511 = arith.cmpi ne, %convert_element_type3A_509, %cond3A_510 : i32
      scf.if %cond3A_511 {
        %add3A_512 = arith.constant 3 : i32
        %add3A_513 = arith.addi %add3A_380, %add3A_512 : i32
        %rem3A_514 = arith.constant 4 : i32
        %rem3A_515 = arith.remsi %add3A_513, %rem3A_514 : i32
        %dma_wait3A_516 = arith.constant 0 : i32
        %dma_wait3A_517 = arith.constant 0 : i32
        %dma_wait3A_518 = tpu.memref_slice %arg6[%rem3A_515, %dma_wait3A_516, %dma_wait3A_517] : memref<4x1024x16xf32, #tpu.memory_space<vmem>> -> memref<1x1024x16xf32, #tpu.memory_space<vmem>>
        %dma_wait3A_519 = tpu.memref_squeeze %dma_wait3A_518 : memref<1x1024x16xf32, #tpu.memory_space<vmem>> -> memref<1024x16xf32, #tpu.memory_space<vmem>>
        %dma_wait3A_520 = arith.constant 0 : i32
        %dma_wait3A_521 = arith.constant 0 : i32
        %dma_wait3A_522 = tpu.memref_slice %arg4[%dma_wait3A_520, %dma_wait3A_521] : memref<786432x16xf32, #tpu.memory_space<hbm>> -> memref<1024x16xf32, #tpu.memory_space<hbm>>
        %dma_wait3A_523 = arith.constant 0 : i32
        %dma_wait3A_524 = arith.constant 0 : i32
        %dma_wait3A_525 = tpu.memref_slice %arg6[%rem3A_515, %dma_wait3A_523, %dma_wait3A_524] : memref<4x1024x16xf32, #tpu.memory_space<vmem>> -> memref<1x1024x16xf32, #tpu.memory_space<vmem>>
        %dma_wait3A_526 = tpu.memref_squeeze %dma_wait3A_525 : memref<1x1024x16xf32, #tpu.memory_space<vmem>> -> memref<1024x16xf32, #tpu.memory_space<vmem>>
        %dma_wait3A_527 = arith.constant 0 : i32
        %dma_wait3A_528 = arith.constant 0 : i32
        %dma_wait3A_529 = tpu.memref_slice %arg4[%dma_wait3A_527, %dma_wait3A_528] : memref<786432x16xf32, #tpu.memory_space<hbm>> -> memref<1024x16xf32, #tpu.memory_space<hbm>>
        tpu.wait_dma2 semaphore(%arg8 : memref<!tpu.dma_semaphore, #tpu.memory_space<semaphore_mem>>) src(%dma_wait3A_529 : memref<1024x16xf32, #tpu.memory_space<hbm>>) dst(%dma_wait3A_526 : memref<1024x16xf32, #tpu.memory_space<vmem>>)
        %sub3A = arith.constant 1 : i32
        %sub3A_530 = arith.subi %add3A_380, %sub3A : i32
        %mul3A_531 = arith.constant 24576 : i32
        %mul3A_532 = arith.muli %add3A, %mul3A_531 : i32
        %mul3A_533 = arith.constant 1024 : i32
        %mul3A_534 = arith.muli %sub3A_530, %mul3A_533 : i32
        %add3A_535 = arith.addi %mul3A_532, %mul3A_534 : i32
        %dma_start3A_536 = arith.constant 0 : i32
        %dma_start3A_537 = arith.constant 0 : i32
        %dma_start3A_538 = tpu.memref_slice %arg6[%rem3A_515, %dma_start3A_536, %dma_start3A_537] : memref<4x1024x16xf32, #tpu.memory_space<vmem>> -> memref<1x1024x16xf32, #tpu.memory_space<vmem>>
        %dma_start3A_539 = tpu.memref_squeeze %dma_start3A_538 : memref<1x1024x16xf32, #tpu.memory_space<vmem>> -> memref<1024x16xf32, #tpu.memory_space<vmem>>
        %dma_start3A_540 = arith.constant 0 : i32
        %dma_start3A_541 = tpu.memref_slice %arg4[%add3A_535, %dma_start3A_540] : memref<786432x16xf32, #tpu.memory_space<hbm>> -> memref<1024x16xf32, #tpu.memory_space<hbm>>
        %dma_start3A_542 = arith.constant 0 : i32
        %dma_start3A_543 = tpu.memref_slice %arg4[%add3A_535, %dma_start3A_542] : memref<786432x16xf32, #tpu.memory_space<hbm>> -> memref<1024x16xf32, #tpu.memory_space<hbm>>
        %dma_start3A_544 = arith.constant 0 : i32
        %dma_start3A_545 = arith.constant 0 : i32
        %dma_start3A_546 = tpu.memref_slice %arg6[%rem3A_515, %dma_start3A_544, %dma_start3A_545] : memref<4x1024x16xf32, #tpu.memory_space<vmem>> -> memref<1x1024x16xf32, #tpu.memory_space<vmem>>
        %dma_start3A_547 = tpu.memref_squeeze %dma_start3A_546 : memref<1x1024x16xf32, #tpu.memory_space<vmem>> -> memref<1024x16xf32, #tpu.memory_space<vmem>>
        tpu.enqueue_dma source(%dma_start3A_547 : memref<1024x16xf32, #tpu.memory_space<vmem>>) target(%dma_start3A_543 : memref<1024x16xf32, #tpu.memory_space<hbm>>) target_semaphore(%arg10 : memref<!tpu.dma_semaphore, #tpu.memory_space<semaphore_mem>>)
      } else {
      }
    }
    %scan3A_19 = arith.constant 8 : i32
    %rem3A = arith.constant 23 : i32
    %rem3A_20 = arith.constant 4 : i32
    %rem3A_21 = arith.remsi %rem3A, %rem3A_20 : i32
    %dma_wait3A = arith.constant 0 : i32
    %dma_wait3A_22 = arith.constant 0 : i32
    %dma_wait3A_23 = tpu.memref_slice %arg6[%rem3A_21, %dma_wait3A, %dma_wait3A_22] : memref<4x1024x16xf32, #tpu.memory_space<vmem>> -> memref<1x1024x16xf32, #tpu.memory_space<vmem>>
    %dma_wait3A_24 = tpu.memref_squeeze %dma_wait3A_23 : memref<1x1024x16xf32, #tpu.memory_space<vmem>> -> memref<1024x16xf32, #tpu.memory_space<vmem>>
    %dma_wait3A_25 = arith.constant 0 : i32
    %dma_wait3A_26 = arith.constant 0 : i32
    %dma_wait3A_27 = tpu.memref_slice %arg4[%dma_wait3A_25, %dma_wait3A_26] : memref<786432x16xf32, #tpu.memory_space<hbm>> -> memref<1024x16xf32, #tpu.memory_space<hbm>>
    %dma_wait3A_28 = arith.constant 0 : i32
    %dma_wait3A_29 = arith.constant 0 : i32
    %dma_wait3A_30 = tpu.memref_slice %arg6[%rem3A_21, %dma_wait3A_28, %dma_wait3A_29] : memref<4x1024x16xf32, #tpu.memory_space<vmem>> -> memref<1x1024x16xf32, #tpu.memory_space<vmem>>
    %dma_wait3A_31 = tpu.memref_squeeze %dma_wait3A_30 : memref<1x1024x16xf32, #tpu.memory_space<vmem>> -> memref<1024x16xf32, #tpu.memory_space<vmem>>
    %dma_wait3A_32 = arith.constant 0 : i32
    %dma_wait3A_33 = arith.constant 0 : i32
    %dma_wait3A_34 = tpu.memref_slice %arg4[%dma_wait3A_32, %dma_wait3A_33] : memref<786432x16xf32, #tpu.memory_space<hbm>> -> memref<1024x16xf32, #tpu.memory_space<hbm>>
    tpu.wait_dma2 semaphore(%arg9 : memref<!tpu.dma_semaphore, #tpu.memory_space<semaphore_mem>>) src(%dma_wait3A_34 : memref<1024x16xf32, #tpu.memory_space<hbm>>) dst(%dma_wait3A_31 : memref<1024x16xf32, #tpu.memory_space<vmem>>)
    %mul3A_35 = arith.constant 24576 : i32
    %mul3A_36 = arith.muli %add3A, %mul3A_35 : i32
    %add3A_37 = arith.constant 23552 : i32
    %add3A_38 = arith.addi %mul3A_36, %add3A_37 : i32
    %dma_start3A = arith.constant 0 : i32
    %dma_start3A_39 = arith.constant 0 : i32
    %dma_start3A_40 = tpu.memref_slice %arg6[%rem3A_21, %dma_start3A, %dma_start3A_39] : memref<4x1024x16xf32, #tpu.memory_space<vmem>> -> memref<1x1024x16xf32, #tpu.memory_space<vmem>>
    %dma_start3A_41 = tpu.memref_squeeze %dma_start3A_40 : memref<1x1024x16xf32, #tpu.memory_space<vmem>> -> memref<1024x16xf32, #tpu.memory_space<vmem>>
    %dma_start3A_42 = arith.constant 0 : i32
    %dma_start3A_43 = tpu.memref_slice %arg4[%add3A_38, %dma_start3A_42] : memref<786432x16xf32, #tpu.memory_space<hbm>> -> memref<1024x16xf32, #tpu.memory_space<hbm>>
    %dma_start3A_44 = arith.constant 0 : i32
    %dma_start3A_45 = tpu.memref_slice %arg4[%add3A_38, %dma_start3A_44] : memref<786432x16xf32, #tpu.memory_space<hbm>> -> memref<1024x16xf32, #tpu.memory_space<hbm>>
    %dma_start3A_46 = arith.constant 0 : i32
    %dma_start3A_47 = arith.constant 0 : i32
    %dma_start3A_48 = tpu.memref_slice %arg6[%rem3A_21, %dma_start3A_46, %dma_start3A_47] : memref<4x1024x16xf32, #tpu.memory_space<vmem>> -> memref<1x1024x16xf32, #tpu.memory_space<vmem>>
    %dma_start3A_49 = tpu.memref_squeeze %dma_start3A_48 : memref<1x1024x16xf32, #tpu.memory_space<vmem>> -> memref<1024x16xf32, #tpu.memory_space<vmem>>
    tpu.enqueue_dma source(%dma_start3A_49 : memref<1024x16xf32, #tpu.memory_space<vmem>>) target(%dma_start3A_45 : memref<1024x16xf32, #tpu.memory_space<hbm>>) target_semaphore(%arg10 : memref<!tpu.dma_semaphore, #tpu.memory_space<semaphore_mem>>)
    %mul3A_50 = arith.constant 24576 : i32
    %mul3A_51 = arith.muli %add3A, %mul3A_50 : i32
    %dma_wait3A_52 = arith.constant 0 : i32
    %dma_wait3A_53 = arith.constant 0 : i32
    %dma_wait3A_54 = arith.constant 0 : i32
    %dma_wait3A_55 = tpu.memref_slice %arg6[%dma_wait3A_52, %dma_wait3A_53, %dma_wait3A_54] : memref<4x1024x16xf32, #tpu.memory_space<vmem>> -> memref<1x1024x16xf32, #tpu.memory_space<vmem>>
    %dma_wait3A_56 = tpu.memref_squeeze %dma_wait3A_55 : memref<1x1024x16xf32, #tpu.memory_space<vmem>> -> memref<1024x16xf32, #tpu.memory_space<vmem>>
    %dma_wait3A_57 = arith.constant 0 : i32
    %dma_wait3A_58 = tpu.memref_slice %arg4[%mul3A_51, %dma_wait3A_57] : memref<786432x16xf32, #tpu.memory_space<hbm>> -> memref<1024x16xf32, #tpu.memory_space<hbm>>
    %dma_wait3A_59 = arith.constant 0 : i32
    %dma_wait3A_60 = tpu.memref_slice %arg4[%mul3A_51, %dma_wait3A_59] : memref<786432x16xf32, #tpu.memory_space<hbm>> -> memref<1024x16xf32, #tpu.memory_space<hbm>>
    %dma_wait3A_61 = arith.constant 0 : i32
    %dma_wait3A_62 = arith.constant 0 : i32
    %dma_wait3A_63 = tpu.memref_slice %arg6[%dma_wait3A_52, %dma_wait3A_61, %dma_wait3A_62] : memref<4x1024x16xf32, #tpu.memory_space<vmem>> -> memref<1x1024x16xf32, #tpu.memory_space<vmem>>
    %dma_wait3A_64 = tpu.memref_squeeze %dma_wait3A_63 : memref<1x1024x16xf32, #tpu.memory_space<vmem>> -> memref<1024x16xf32, #tpu.memory_space<vmem>>
    tpu.wait_dma2 semaphore(%arg10 : memref<!tpu.dma_semaphore, #tpu.memory_space<semaphore_mem>>) src(%dma_wait3A_64 : memref<1024x16xf32, #tpu.memory_space<vmem>>) dst(%dma_wait3A_60 : memref<1024x16xf32, #tpu.memory_space<hbm>>)
    %mul3A_65 = arith.constant 24576 : i32
    %mul3A_66 = arith.muli %add3A, %mul3A_65 : i32
    %dma_wait3A_67 = arith.constant 0 : i32
    %dma_wait3A_68 = arith.constant 0 : i32
    %dma_wait3A_69 = arith.constant 0 : i32
    %dma_wait3A_70 = tpu.memref_slice %arg6[%dma_wait3A_67, %dma_wait3A_68, %dma_wait3A_69] : memref<4x1024x16xf32, #tpu.memory_space<vmem>> -> memref<1x1024x16xf32, #tpu.memory_space<vmem>>
    %dma_wait3A_71 = tpu.memref_squeeze %dma_wait3A_70 : memref<1x1024x16xf32, #tpu.memory_space<vmem>> -> memref<1024x16xf32, #tpu.memory_space<vmem>>
    %dma_wait3A_72 = arith.constant 0 : i32
    %dma_wait3A_73 = tpu.memref_slice %arg4[%mul3A_66, %dma_wait3A_72] : memref<786432x16xf32, #tpu.memory_space<hbm>> -> memref<1024x16xf32, #tpu.memory_space<hbm>>
    %dma_wait3A_74 = arith.constant 0 : i32
    %dma_wait3A_75 = tpu.memref_slice %arg4[%mul3A_66, %dma_wait3A_74] : memref<786432x16xf32, #tpu.memory_space<hbm>> -> memref<1024x16xf32, #tpu.memory_space<hbm>>
    %dma_wait3A_76 = arith.constant 0 : i32
    %dma_wait3A_77 = arith.constant 0 : i32
    %dma_wait3A_78 = tpu.memref_slice %arg6[%dma_wait3A_67, %dma_wait3A_76, %dma_wait3A_77] : memref<4x1024x16xf32, #tpu.memory_space<vmem>> -> memref<1x1024x16xf32, #tpu.memory_space<vmem>>
    %dma_wait3A_79 = tpu.memref_squeeze %dma_wait3A_78 : memref<1x1024x16xf32, #tpu.memory_space<vmem>> -> memref<1024x16xf32, #tpu.memory_space<vmem>>
    tpu.wait_dma2 semaphore(%arg10 : memref<!tpu.dma_semaphore, #tpu.memory_space<semaphore_mem>>) src(%dma_wait3A_79 : memref<1024x16xf32, #tpu.memory_space<vmem>>) dst(%dma_wait3A_75 : memref<1024x16xf32, #tpu.memory_space<hbm>>)
    %mul3A_80 = arith.constant 24576 : i32
    %mul3A_81 = arith.muli %add3A, %mul3A_80 : i32
    %dma_wait3A_82 = arith.constant 0 : i32
    %dma_wait3A_83 = arith.constant 0 : i32
    %dma_wait3A_84 = arith.constant 0 : i32
    %dma_wait3A_85 = tpu.memref_slice %arg6[%dma_wait3A_82, %dma_wait3A_83, %dma_wait3A_84] : memref<4x1024x16xf32, #tpu.memory_space<vmem>> -> memref<1x1024x16xf32, #tpu.memory_space<vmem>>
    %dma_wait3A_86 = tpu.memref_squeeze %dma_wait3A_85 : memref<1x1024x16xf32, #tpu.memory_space<vmem>> -> memref<1024x16xf32, #tpu.memory_space<vmem>>
    %dma_wait3A_87 = arith.constant 0 : i32
    %dma_wait3A_88 = tpu.memref_slice %arg4[%mul3A_81, %dma_wait3A_87] : memref<786432x16xf32, #tpu.memory_space<hbm>> -> memref<1024x16xf32, #tpu.memory_space<hbm>>
    %dma_wait3A_89 = arith.constant 0 : i32
    %dma_wait3A_90 = tpu.memref_slice %arg4[%mul3A_81, %dma_wait3A_89] : memref<786432x16xf32, #tpu.memory_space<hbm>> -> memref<1024x16xf32, #tpu.memory_space<hbm>>
    %dma_wait3A_91 = arith.constant 0 : i32
    %dma_wait3A_92 = arith.constant 0 : i32
    %dma_wait3A_93 = tpu.memref_slice %arg6[%dma_wait3A_82, %dma_wait3A_91, %dma_wait3A_92] : memref<4x1024x16xf32, #tpu.memory_space<vmem>> -> memref<1x1024x16xf32, #tpu.memory_space<vmem>>
    %dma_wait3A_94 = tpu.memref_squeeze %dma_wait3A_93 : memref<1x1024x16xf32, #tpu.memory_space<vmem>> -> memref<1024x16xf32, #tpu.memory_space<vmem>>
    tpu.wait_dma2 semaphore(%arg10 : memref<!tpu.dma_semaphore, #tpu.memory_space<semaphore_mem>>) src(%dma_wait3A_94 : memref<1024x16xf32, #tpu.memory_space<vmem>>) dst(%dma_wait3A_90 : memref<1024x16xf32, #tpu.memory_space<hbm>>)
    %mul3A_95 = arith.constant 24576 : i32
    %mul3A_96 = arith.muli %add3A, %mul3A_95 : i32
    %dma_wait3A_97 = arith.constant 0 : i32
    %dma_wait3A_98 = arith.constant 0 : i32
    %dma_wait3A_99 = arith.constant 0 : i32
    %dma_wait3A_100 = tpu.memref_slice %arg6[%dma_wait3A_97, %dma_wait3A_98, %dma_wait3A_99] : memref<4x1024x16xf32, #tpu.memory_space<vmem>> -> memref<1x1024x16xf32, #tpu.memory_space<vmem>>
    %dma_wait3A_101 = tpu.memref_squeeze %dma_wait3A_100 : memref<1x1024x16xf32, #tpu.memory_space<vmem>> -> memref<1024x16xf32, #tpu.memory_space<vmem>>
    %dma_wait3A_102 = arith.constant 0 : i32
    %dma_wait3A_103 = tpu.memref_slice %arg4[%mul3A_96, %dma_wait3A_102] : memref<786432x16xf32, #tpu.memory_space<hbm>> -> memref<1024x16xf32, #tpu.memory_space<hbm>>
    %dma_wait3A_104 = arith.constant 0 : i32
    %dma_wait3A_105 = tpu.memref_slice %arg4[%mul3A_96, %dma_wait3A_104] : memref<786432x16xf32, #tpu.memory_space<hbm>> -> memref<1024x16xf32, #tpu.memory_space<hbm>>
    %dma_wait3A_106 = arith.constant 0 : i32
    %dma_wait3A_107 = arith.constant 0 : i32
    %dma_wait3A_108 = tpu.memref_slice %arg6[%dma_wait3A_97, %dma_wait3A_106, %dma_wait3A_107] : memref<4x1024x16xf32, #tpu.memory_space<vmem>> -> memref<1x1024x16xf32, #tpu.memory_space<vmem>>
    %dma_wait3A_109 = tpu.memref_squeeze %dma_wait3A_108 : memref<1x1024x16xf32, #tpu.memory_space<vmem>> -> memref<1024x16xf32, #tpu.memory_space<vmem>>
    tpu.wait_dma2 semaphore(%arg10 : memref<!tpu.dma_semaphore, #tpu.memory_space<semaphore_mem>>) src(%dma_wait3A_109 : memref<1024x16xf32, #tpu.memory_space<vmem>>) dst(%dma_wait3A_105 : memref<1024x16xf32, #tpu.memory_space<hbm>>)
    return
  }
}

</mosaic_0001>

<sc_bundles>
// kernel: kernel.3.cloned.1.call-start
scs
__scs_entry_jumppad:
0x0: {  	(pc) =	sbr.rel $0x88, $3  }
0x1: {  	(tag) =	ssettag $0x0;
	lr =	simm.s32 $0x1  }
0x2: {  	[smem:$0x3F9F] =	sst lr;
	_ =	strace $0xD0000000  }
0x3: {  	_ = 	snop  }
0x4: {  	_ = 	snop  }
0x5: {  	_ = 	snop  }
0x6: {  	_ = 	snop  }
0x7: {  	_ = 	snop  }
__scs_overlays_trampoline_lowered:
0x8: {  	[smem:$0x3FAE] =	sst s0  }
0x9: {  	[smem:$0x3FAF] =	sst s1  }
0xa: {  	[smem:$0x3FB0] =	sst s2  }
0xb: {  	[smem:$0x3FB1] =	sst s3  }
0xc: {  	[smem:$0x3FB2] =	sst s4  }
0xd: {  	[smem:$0x3FB3] =	sst s5  }
0xe: {  	[smem:$0x3FB4] =	sst s6  }
0xf: {  	[smem:$0x3FB5] =	sst s7  }
0x10: {  	[smem:$0x3FB6] =	sst s8  }
0x11: {  	[smem:$0x3FB7] =	sst s9;
	s0 =	simm.s32 @!p0 $0x0  }
0x12: {  	s1 =	sld [smem:$0x3F9D];
	s0 =	simm.s32 @p0 $0x1  }
0x13: {  	[smem:$0x3FB8] =	sst s0;
	s0 =	simm.s32 @!p1 $0x0  }
0x14: {  	s2 =	sld [smem:$0x3F9C];
	s0 =	simm.s32 @p1 $0x1  }
0x15: {  	[smem:$0x3FB9] =	sst s0;
	s0 =	simm.s32 @!p2 $0x0  }
0x16: {  	s3 =	sld [smem:$0x3FDB];
	s0 =	simm.s32 @p2 $0x1  }
0x17: {  	s4 =	simm.s32 $0x1BF5;
	[smem:$0x3FBB] =	sst s0  }
0x18: {  	s0 =	sld [smem:$0x3F9E];
	_ =	swait.ge [sflag:s4], $0x0  }
0x19: {  	s7 =	sld [smem:$0x3F9F]  }
0x1a: {  	s8 =	sadd.s32 $0xFFFFE003, lr  }
0x1b: {  	s9 =	sadd.s32 $0xFFFFFEF7, lr;
	s5 =	simm.s32 $0xFFFFFFFF;
	p2 =	slt.u32 s8, $0xFFFFF086  }
0x1c: {  	p1 =	slt.u32 s9, $0xF7A;
	s5 =	simm.s32 @!p2 $0x0  }
0x1d: {  	s5 =	simm.s32 @p1 $0x1;
	p0 =	seq.s32 s7, s2  }
0x1e: {  	s7 =	smul.u32 @!p0 $0xF7A, s2;
	p2 =	seq.s32 @!p0 s5, $0x0  }
0x1f: {  	s9 =	smul.u32 $0xF7A, s1;
	s8 =	simm.s32 @!p0 $0x1BF5;
	p2 =	por !p2, p0  }
0x20: {  	[sflag:s8] =	ssyncset.s32 @!p0 $0xFFFFF086;
	s6 =	sadd.s32 @!p0 s3, s7;
	s7 =	simm.s32 @!p0 $0x108  }
0x21: {  	s3 =	sadd.s32 s3, s9;
	s6 =	sadd.s32 @!p0 $0x88, s6;
	s7 =	simm.s32 @p2 $0x1082  }
0x22: {  	[simem:s7], [sflag:s8] =	dma.local @!p0 [hbm:s6], $0xF7A  }
0x23: {  	s9 =	sor.u32 $0xD0000000, s2;
	s6 =	simm.s32 $0x108;
	_ =	swait.ge @!p0 [sflag:s8], $0x0  }
0x24: {  	s3 =	sadd.s32 $0x88, s3;
	s6 =	simm.s32 @!p1 $0x1082;
	[sflag:s4] =	ssyncset.s32 $0xFFFFF086  }
0x25: {  	[simem:s6], [sflag:s4] =	dma.local [hbm:s3], $0xF7A  }
0x26: {  	[smem:$0x3F9F] =	sst s1;
	(tag) =	ssettag s2;
	_ =	strace s9  }
0x27: {  	s1 =	sld [smem:$0x3FAF]  }
0x28: {  	s2 =	sld [smem:$0x3FB0]  }
0x29: {  	s4 =	sld [smem:$0x3FB2]  }
0x2a: {  	p0 =	seq.s32 s5, $0x0;
	s5 =	sld [smem:$0x3FB3]  }
0x2b: {  	s6 =	sld [smem:$0x3FB4]  }
0x2c: {  	s7 =	sld [smem:$0x3FB5]  }
0x2d: {  	s3 =	simm.s32 $0x108;
	s8 =	sld [smem:$0x3FB6]  }
0x2e: {  	s3 =	simm.s32 @!p0 $0x1082;
	s9 =	sld [smem:$0x3FB7]  }
0x2f: {  	lr =	sadd.s32 s0, s3;
	s0 =	sld [smem:$0x3FAE]  }
0x30: {  	s3 =	sld [smem:$0x3FB1]  }
0x31: {  	[smem:$0x3FBA] =	sst s10  }
0x32: {  	s10 =	sld [smem:$0x3FB8];
	_ =	sdelay $0x3  }
0x33: {  	p0 =	seq.s32 s10, $0x1;
	s10 =	sld [smem:$0x3FBA];
	_ =	sdelay $0x3  }
0x34: {  	[smem:$0x3FBA] =	sst s10  }
0x35: {  	s10 =	sld [smem:$0x3FB9];
	_ =	sdelay $0x3  }
0x36: {  	p1 =	seq.s32 s10, $0x1;
	s10 =	sld [smem:$0x3FBA];
	_ =	sdelay $0x3  }
0x37: {  	[smem:$0x3FBA] =	sst s10  }
0x38: {  	s10 =	sld [smem:$0x3FBB]  }
0x39: {  	_ = 	snop;
	(pc) =	sbr.ind lr, $3  }
0x3a: {  	_ = 	snop  }
0x3b: {  	_ = 	snop  }
0x3c: {  	p2 =	seq.s32 s10, $0x1;
	s10 =	sld [smem:$0x3FBA]  }
0x3d: {  	_ =	shalt  }
0x3e: {  	_ =	shalt  }
0x3f: {  	_ =	shalt  }
0x40: {  	_ =	shalt  }
0x41: {  	_ =	shalt  }
0x42: {  	_ =	shalt  }
0x43: {  	_ =	shalt  }
0x44: {  	_ =	shalt  }
0x45: {  	_ =	shalt  }
0x46: {  	_ =	shalt  }
0x47: {  	_ =	shalt  }
0x48: {  	_ =	shalt  }
0x49: {  	_ =	shalt  }
0x4a: {  	_ =	shalt  }
0x4b: {  	_ =	shalt  }
0x4c: {  	_ =	shalt  }
0x4d: {  	_ =	shalt  }
0x4e: {  	_ =	shalt  }
0x4f: {  	_ =	shalt  }
0x50: {  	_ =	shalt  }
0x51: {  	_ =	shalt  }
0x52: {  	_ =	shalt  }
0x53: {  	_ =	shalt  }
0x54: {  	_ =	shalt  }
0x55: {  	_ =	shalt  }
0x56: {  	_ =	shalt  }
0x57: {  	_ =	shalt  }
0x58: {  	_ =	shalt  }
0x59: {  	_ =	shalt  }
0x5a: {  	_ =	shalt  }
0x5b: {  	_ =	shalt  }
0x5c: {  	_ =	shalt  }
0x5d: {  	_ =	shalt  }
0x5e: {  	_ =	shalt  }
0x5f: {  	_ =	shalt  }
0x60: {  	_ =	shalt  }
0x61: {  	_ =	shalt  }
0x62: {  	_ =	shalt  }
0x63: {  	_ =	shalt  }
0x64: {  	_ =	shalt  }
0x65: {  	_ =	shalt  }
0x66: {  	_ =	shalt  }
0x67: {  	_ =	shalt  }
0x68: {  	_ =	shalt  }
0x69: {  	_ =	shalt  }
0x6a: {  	_ =	shalt  }
0x6b: {  	_ =	shalt  }
0x6c: {  	_ =	shalt  }
0x6d: {  	_ =	shalt  }
0x6e: {  	_ =	shalt  }
0x6f: {  	_ =	shalt  }
0x70: {  	_ =	shalt  }
0x71: {  	_ =	shalt  }
0x72: {  	_ =	shalt  }
0x73: {  	_ =	shalt  }
0x74: {  	_ =	shalt  }
0x75: {  	_ =	shalt  }
0x76: {  	_ =	shalt  }
0x77: {  	_ =	shalt  }
0x78: {  	_ =	shalt  }
0x79: {  	_ =	shalt  }
0x7a: {  	_ =	shalt  }
0x7b: {  	_ =	shalt  }
0x7c: {  	_ =	shalt  }
0x7d: {  	_ =	shalt  }
0x7e: {  	_ =	shalt  }
0x7f: {  	_ =	shalt  }
0x80: {  	_ =	shalt  }
0x81: {  	_ =	shalt  }
0x82: {  	_ =	shalt  }
0x83: {  	_ =	shalt  }
0x84: {  	_ =	shalt  }
0x85: {  	_ =	shalt  }
0x86: {  	_ =	shalt  }
0x87: {  	_ =	shalt  }
.Lfunc_end0:
.L_simem_size_0:
called_computation_lowered:
.L_overlay_start_0:
0x88: {  	s2 =	sld [smem:$0x3FD9]  }
0x89: {  	s3 =	sld [smem:$0x3FFE];
	_ =	sdelay $0x1  }
0x8a: {  	s1 =	srdreg.scid  }
0x8b: {  	s0 =	sand.u32 $0x1, s1  }
0x8c: {  	s17 =	sshll.u32 s0, $0xA;
	s2 =	sadd.s32 s3, s2  }
0x8d: {  	s2 =	sadd.s32 s2, s17  }
0x8e: {  	[smem:$0x3FC6] =	sst s2  }
0x8f: {  	_ = 	snop  }
0x90: {  	s2 =	sld [smem:$0x3FD0];
	(tm) =	ssettm $0x1  }
0x91: {  	s18 =	sld [smem:$0x3FFB];
	_ =	sdelay $0x3  }
0x92: {  	_ =	strace s18  }
0x93: {  	s3 =	sld [smem:$0x3FFC];
	_ =	sdelay $0x3  }
0x94: {  	_ =	strace s3  }
0x95: {  	s3 =	sld [smem:$0x3FFD];
	_ =	sdelay $0x3  }
0x96: {  	_ =	strace s3  }
0x97: {  	_ =	strace $0x8FFFFFFF  }
0x98: {  	s19 =	sld [smem:$0x3FDB];
	_ =	sdelay $0x1  }
0x99: {  	s4 =	simm.s32 $_scs_section_size  }
0x9a: {  	s5 =	simm.s32 $_size__tile_overlayer_lowered;
	s6 =	simm.s32 $_tile_overlayer_lowered  }
0x9b: {  	s22 =	simm.s32 $0x1BFF;
	s21 =	sshll.u32 s6, $0x1;
	s3 =	sadd.s32 s4, s19  }
0x9c: {  	s7 =	simm.s32 $0x0;
	s20 =	sshll.u32 s5, $0x1;
	s5 =	sadd.s32 s21, s3  }
0x9d: {  	[timem:s7], [sflag:s22] =	dma.local [hbm:s5], s20  }
0x9e: {  	_ =	swait.ge [sflag:s22], s20  }
0x9f: {  	s4 =	ssub.s32 $0x0, s20;
	[sflag:s22] =	ssyncset.done $0x0  }
0xa0: {  	[sflag:s22] =	ssyncadd.s32 s4;
	_ =	sdelay $0x1  }
0xa1: {  	s23 =	simm.s32 $0x1B8B  }
0xa2: {  	_ =	swait.ge [sflag:s23], $0x1  }
0xa3: {  	[sflag:s23] =	ssyncset.done $0x0  }
0xa4: {  	s25 =	simm.s32 $0x1B8E;
	s24 =	sld [smem:$0x3FFE];
	[sflag:s23] =	ssyncadd.s32 $0xFFFFFFFF  }
0xa5: {  	s26 =	simm.s32 $execute0_lowered;
	[smem:$0x3FD2] =	sst s25  }
0xa6: {  	s5 =	sshll.u32 s26, $0x1;
	_ =	strace $0x80000046;
	[dreg:$0x1] =	wrdreg $0xFFFFFFFF  }
0xa7: {  	s28 =	simm.s32 $_size_execute0_lowered;
	s3 =	sadd.s32 s3, s5;
	[dreg:$0x0] =	wrdreg $0x0  }
0xa8: {  	s5 =	sshll.u32 s28, $0x1;
	[dreg:$0x2] =	wrdreg s3  }
0xa9: {  	[dreg:$0x3] =	wrdreg s5  }
0xaa: {  	[dreg:$0x4] =	wrdreg $0xC0  }
0xab: {  	_ =	task [dreg:s7], $0x5FFFF  }
0xac: {  	[dreg:$0x1] =	wrdreg $0xFFFFFFFF  }
0xad: {  	[dreg:$0x0] =	wrdreg $0x60  }
0xae: {  	[dreg:$0x2] =	wrdreg s2  }
0xaf: {  	[dreg:$0x3] =	wrdreg s24  }
0xb0: {  	[dreg:$0x4] =	wrdreg $0x9  }
0xb1: {  	_ =	task.clear_ibuf [dreg:s7], $0x5FFFF;
	_ =	strace $0x90000046  }
0xb2: {  	s29 =	simm.s32 $0x9;
	_ =	strace $0x80000048  }
0xb3: {  	_ =	swait.ge [sflag:s29], $0x1  }
0xb4: {  	[sflag:s29] =	ssyncadd.s32 $0xFFFFFFFF  }
0xb5: {  	_ =	strace $0x90000048  }
0xb6: {  	_ =	sfence  }
0xb7: {  	s30 =	sld [smem:$0x0];
	_ =	sdelay $0x2  }
0xb8: {  	s31 =	sshll.u32 s1, $0xD;
	s1 =	sshrl.u32 s1, $0x2  }
0xb9: {  	s3 =	sand.u32 $0x4000, s31;
	s1 =	sadd.s32 s1, s30  }
0xba: {  	s0 =	sor.u32 s3, s0;
	s1 =	sshll.u32 s1, $0x11  }
0xbb: {  	s0 =	sor.u32 s1, s0  }
0xbc: {  	s0 =	sadd.s32 $0x8F2B, s0  }
0xbd: {  	[sflag:s0] =	ssyncadd.remote.s32 $0x1  }
0xbe: {  	_ =	sfence.sel $0xFFFF  }
0xbf: {  	[dreg:$0x0] =	wrdreg $0xFFFFFFFF;
	(pc) =	sbr.abs _section_cstart, $3  }
0xc0: {  	[dreg:$0x1] =	wrdreg $0xFFFFFFFF  }
0xc1: {  	_ =	task.clear_ibuf [dreg:s7], $0x2FFFF;
	_ =	strace $0x9FFFFFFF  }
0xc2: {  	(tm) =	ssettm $0x7FFFFFFF  }
0xc3: {  	_ =	shalt  }
tec
execute0_lowered:
.L_overlay_start_1:
0x0: {  	(tag) =	ssettag $0x1  }
0x1: {  	s7 =	rddreg [dreg:$0x0]  }
0x2: {  	s6 =	rddreg [dreg:$0x1];
	s3 =	srdreg.scid  }
0x3: {  	s1 =	stileid.u32;
	s2 =	simm.s32 $0x0;
	s12 =	simm.s32 $0x80  }
0x4: {  	s13 =	simm.s32 $0x1;
	s5 =	sand.u32 $0x1, s3;
	s29 =	sshll.u32 s1, $0x1  }
0x5: {  	s14 =	simm.s32 $0x2;
	s15 =	simm.s32 $0x3;
	s8 =	sor.u32 s5, s29  }
0x6: {  	s16 =	simm.s32 $0x12000;
	s17 =	simm.s32 $0x4;
	s3 =	smul.u32 $0x60000, s8  }
0x7: {  	s18 =	simm.s32 $0x0;
	[smem:$0x7FF] =	sst s2;
	s10 =	smul.u32 $0xC00, s8  }
.Ltmp0:
0x8: {  	s4 =	sadd.s32 $0x6600, s6;
	s9 =	ssub.s32 $0x2, s5;
	(pc) =	sbr.rel .LBB2_1-.Ltmp0, $4  }
0x9: {  	s6 =	sadd.s32 $0x600, s6;
	s11 =	sshrl.u32 s9, $0x1;
	s5 =	smul.u32 $0x6000, s8  }
0xa: {  	_ =	strace $0x80000047;
	s11 =	ssub.s32 s9, s11;
	s30 =	sshrl.u32 s3, $0x3  }
0xb: {  	s7 =	sadd.s32 s7, s10;
	s8 =	sadd.s32 $0xFFFFC00, s5;
	s31 =	sadd.s32 s4, s30  }
0xc: {  	v0 =	vlaneseq.u32;
	s10 =	smax.u32 s11, $0x1;
	s11 =	simm.s32 $0x5;
	s9 =	sadd.s32 $0xB800, s31  }
.LBB2_17:
0xd: {  	_ =	swait.ge [sflag:s15], $0x4000  }
0xe: {  	[sflag:s15] =	ssyncset.done $0x0  }
0xf: {  	[sflag:s15] =	ssyncadd.s32 $0xFFFFC000  }
0x10: {  	[hbm4b:s9+s2] =	stream.linear.scatter [tilespmem:s16], [sflag:$0x4], $0x4000, $0x38;
	[tilespmem:$0x16000] =	vst v63  }
0x11: {  	_ =	swait.ge [sflag:s17], $0x4000  }
0x12: {  	[sflag:s17] =	ssyncset.done $0x0  }
0x13: {  	[sflag:s17] =	ssyncadd.s32 $0xFFFFC000  }
0x14: {  	_ =	swait.ge [sflag:s17], $0x4000  }
0x15: {  	[sflag:s17] =	ssyncset.done $0x0  }
0x16: {  	s18 =	sadd.s32 $0x1, s18;
	[sflag:s17] =	ssyncadd.s32 $0xFFFFC000  }
0x17: {  	p0 =	sne.s32 s18, s10;
	_ =	swait.ge [sflag:s17], $0x4000  }
.Ltmp1:
0x18: {  	[sflag:s17] =	ssyncset.done $0x0;
	(pc) =	sbr.rel @!p0 .LBB2_18-.Ltmp1, $4  }
0x19: {  	[sflag:s17] =	ssyncadd.s32 $0xFFFFC000  }
0x1a: {  	_ =	swait.ge [sflag:s17], $0x4000  }
0x1b: {  	[sflag:s17] =	ssyncset.done $0x0  }
0x1c: {  	[sflag:s17] =	ssyncadd.s32 $0xFFFFC000  }
.LBB2_1:
0x1d: {  	[tilespmem:s2], [sflag:$0x5] =	stream.linear.gather [hbm4b:s7+s2], $0x6000, $0x38;
	[tilespmem:$0x16000] =	vst v63  }
0x1e: {  	s19 =	simm.s32 $0x40  }
0x1f: {  	s20 =	simm.s32 $0x30;
	v6 =	vor.u32 s19, v0  }
0x20: {  	s28 =	simm.s32 $0x10;
	v2 =	vor.u32 s20, v0;
	v3 =	vmulhi.u32 $0xAAAAAAAB, v6  }
0x21: {  	s29 =	simm.s32 $0x0;
	v4 =	vor.u32 s28, v0;
	v5 =	vmulhi.u32 $0xAAAAAAAB, v2  }
0x22: {  	s30 =	simm.s32 $0x60;
	v7 =	vor.u32 s29, v0;
	v8 =	vmulhi.u32 $0xAAAAAAAB, v4  }
0x23: {  	s31 =	simm.s32 $0x50;
	v9 =	vor.u32 s30, v0;
	v11 =	vmulhi.u32 $0xAAAAAAAB, v7  }
0x24: {  	s22 =	simm.s32 $0x70;
	v10 =	vor.u32 s31, v0;
	v12 =	vmulhi.u32 $0xAAAAAAAB, v9  }
0x25: {  	s21 =	simm.s32 $0x20;
	_ =	swait.ge [sflag:s11], $0x6000;
	v13 =	vor.u32 s22, v0;
	v15 =	vmulhi.u32 $0xAAAAAAAB, v10  }
0x26: {  	v1 =	vor.u32 s21, v0;
	[sflag:s11] =	ssyncset.done $0x0;
	v16 =	vmulhi.u32 $0xAAAAAAAB, v13  }
0x27: {  	s19 =	simm.s32 $0x40;
	v17 =	vmulhi.u32 $0xAAAAAAAB, v1;
	[sflag:s11] =	ssyncadd.s32 $0xFFFFA000;
	v8 =	vshrl.u32 v8, $0x5  }
0x28: {  	v11 =	vshrl.u32 v11, $0x5;
	v5 =	vshrl.u32 v5, $0x5;
	v14 =	vld [tilespmem:s19+$0xFFFFFFF0];
	v12 =	vshrl.u32 v12, $0x5  }
0x29: {  	v15 =	vshrl.u32 v15, $0x5;
	v16 =	vshrl.u32 v16, $0x5;
	v5 =	vmul.u32 $0x30, v5  }
0x2a: {  	v3 =	vshrl.u32 v3, $0x5;
	v11 =	vmul.u32 $0x30, v11;
	v8 =	vmul.u32 $0x30, v8  }
0x2b: {  	v15 =	vmul.u32 $0x30, v15;
	v63 =	vmul.u32 $0x30, v3;
	v2 =	vsub.s32 v2, v5  }
0x2c: {  	v12 =	vmul.u32 $0x30, v12;
	v5 =	vsub.s32 v7, v11;
	v7 =	vshll.u32 v2, $0x8  }
0x2d: {  	v16 =	vmul.u32 $0x30, v16;
	v11 =	vshrl.u32 v17, $0x5;
	v14 =	vadd.s32 v7, v14;
	v7 =	vld [tilespmem:s19+$0x0]  }
0x2e: {  	v3 =	vsub.s32 v4, v8;
	v6 =	vsub.s32 v6, v63;
	v9 =	vsub.s32 v9, v12;
	v2 =	vld [tilespmem:s19+$0x20]  }
0x2f: {  	v8 =	vmul.u32 $0x30, v11;
	v11 =	vsub.s32 v10, v15;
	v4 =	vshll.u32 v3, $0x8;
	v3 =	vld [tilespmem:s19+$0xFFFFFFE0]  }
0x30: {  	s20 =	simm.s32 $0xF0;
	s21 =	simm.s32 $0xC0;
	v12 =	vshll.u32 v6, $0x8;
	v6 =	vshll.u32 v9, $0x8;
	v10 =	vsub.s32 v13, v16;
	v9 =	vld [tilespmem:s19+$0x30];
	[tilespmem:s19+$0xFFFFFFF0] =	vst v14  }
.LBB2_2:
0x31: {  	s22 =	sadd.s32 $0xFFFFFF90, s20  }
0x32: {  	s23 =	sadd.s32 $0xFFFFFFA0, s20;
	s24 =	sadd.s32 $0xFFFFFFB0, s20;
	v5 =	vshll.u32 v5, $0x8;
	v7 =	vadd.s32 v12, v7;
	v11 =	vshll.u32 v11, $0x8;
	v12 =	vld [tilespmem:s19+$0x10];
	s25 =	smov.u32 s20  }
0x33: {  	s26 =	sadd.s32 $0xFFFFFFE0, s20;
	v1 =	vsub.s32 v1, v8;
	v13 =	vor.u32 s22, v0;
	v14 =	vor.u32 s23, v0;
	s22 =	sadd.s32 $0xFFFFFFC0, s20;
	s23 =	sadd.s32 $0xFFFFFFD0, s20;
	v15 =	vld [tilespmem:s19+$0xFFFFFFD0];
	[tilespmem:s19+$0x0] =	vst v7  }
0x34: {  	p0 =	sne.s32 s20, $0x3F0;
	s20 =	sadd.s32 $0x80, s20;
	v17 =	vshll.u32 v1, $0x8;
	v7 =	vor.u32 s22, v0;
	v16 =	vor.u32 s23, v0;
	s22 =	sadd.s32 $0xFFFFFFF0, s25;
	v8 =	vld [tilespmem:s19+$0xFFFFFFC0]  }
0x35: {  	v1 =	vshll.u32 v10, $0x8;
	v18 =	vmulhi.u32 $0xAAAAAAAB, v16;
	v19 =	vor.u32 s22, v0  }
0x36: {  	v20 =	vor.u32 s26, v0;
	v10 =	vmulhi.u32 $0xAAAAAAAB, v7;
	v9 =	vadd.s32 v1, v9  }
0x37: {  	v2 =	vadd.s32 v6, v2;
	v21 =	vor.u32 s25, v0;
	v1 =	vor.u32 s24, v0;
	[tilespmem:s19+$0x30] =	vst v9  }
0x38: {  	v6 =	vmulhi.u32 $0xAAAAAAAB, v14;
	v9 =	vadd.s32 v11, v12;
	v4 =	vadd.s32 v4, v15;
	[tilespmem:s19+$0x20] =	vst v2  }
0x39: {  	v3 =	vadd.s32 v17, v3;
	v11 =	vmulhi.u32 $0xAAAAAAAB, v13;
	v2 =	vld [tilespmem:s21+$0x20];
	v5 =	vadd.s32 v5, v8;
	[tilespmem:s19+$0x10] =	vst v9  }
0x3a: {  	v6 =	vshrl.u32 v6, $0x5;
	v8 =	vmulhi.u32 $0xAAAAAAAB, v19;
	[tilespmem:s19+$0xFFFFFFE0] =	vst v3  }
0x3b: {  	v9 =	vshrl.u32 v10, $0x5;
	v3 =	vshrl.u32 v11, $0x5;
	v11 =	vmulhi.u32 $0xAAAAAAAB, v20;
	v10 =	vld [tilespmem:s21+$0xFFFFFFF0];
	[tilespmem:s19+$0xFFFFFFD0] =	vst v4  }
0x3c: {  	v4 =	vmul.u32 $0x30, v9;
	v8 =	vshrl.u32 v8, $0x5;
	v9 =	vmulhi.u32 $0xAAAAAAAB, v21;
	[tilespmem:s19+$0xFFFFFFC0] =	vst v5;
	s19 =	smov.u32 s21  }
0x3d: {  	v6 =	vmul.u32 $0x30, v6;
	v3 =	vmul.u32 $0x30, v3;
	v11 =	vshrl.u32 v11, $0x5  }
0x3e: {  	v12 =	vmulhi.u32 $0xAAAAAAAB, v1;
	v4 =	vsub.s32 v7, v4;
	v9 =	vshrl.u32 v9, $0x5  }
0x3f: {  	v5 =	vsub.s32 v13, v3;
	v3 =	vshll.u32 v4, $0x8;
	v4 =	vshrl.u32 v18, $0x5  }
.Ltmp2:
0x40: {  	v12 =	vshrl.u32 v12, $0x5;
	v3 =	vadd.s32 v3, v10;
	v7 =	vld [tilespmem:s21+$0x0];
	v10 =	vmul.u32 $0x30, v11;
	(pc) =	sbr.rel @p0 .LBB2_2-.Ltmp2, $4  }
0x41: {  	v15 =	vmul.u32 $0x30, v8;
	v9 =	vmul.u32 $0x30, v9;
	v13 =	vmul.u32 $0x30, v4;
	[tilespmem:s21+$0xFFFFFFF0] =	vst v3  }
0x42: {  	v8 =	vmul.u32 $0x30, v12;
	v3 =	vsub.s32 v14, v6;
	v11 =	vsub.s32 v20, v10  }
0x43: {  	v6 =	vsub.s32 v16, v13;
	v4 =	vshll.u32 v3, $0x8;
	v10 =	vsub.s32 v19, v15;
	v3 =	vld [tilespmem:s21+$0xFFFFFFE0]  }
0x44: {  	v12 =	vshll.u32 v6, $0x8;
	v6 =	vshll.u32 v10, $0x8;
	v10 =	vsub.s32 v21, v9;
	s21 =	sadd.s32 $0x80, s21;
	v9 =	vld [tilespmem:s19+$0x30]  }
0x45: {  	_ = 	snop  }
0x46: {  	v13 =	vld [tilespmem:s19+$0x10]  }
0x47: {  	v7 =	vadd.s32 v12, v7;
	v11 =	vshll.u32 v11, $0x8  }
0x48: {  	v15 =	vld [tilespmem:s19+$0xFFFFFFC0];
	v1 =	vsub.s32 v1, v8;
	v8 =	vshll.u32 v10, $0x8;
	v2 =	vadd.s32 v6, v2;
	s20 =	simm.s32 $0x440  }
0x49: {  	v14 =	vld [tilespmem:s19+$0xFFFFFFD0];
	s28 =	simm.s32 $0x410;
	[tilespmem:s19+$0x0] =	vst v7;
	v1 =	vshll.u32 v1, $0x8;
	v7 =	vadd.s32 v8, v9;
	v9 =	vor.u32 s20, v0  }
0x4a: {  	s29 =	simm.s32 $0x400;
	v1 =	vadd.s32 v1, v3;
	v3 =	vor.u32 s28, v0;
	[tilespmem:s19+$0x30] =	vst v7;
	v7 =	vmulhi.u32 $0xAAAAAAAB, v9  }
0x4b: {  	s22 =	simm.s32 $0x420;
	v8 =	vor.u32 s29, v0;
	v6 =	vadd.s32 v11, v13;
	v11 =	vmulhi.u32 $0xAAAAAAAB, v3  }
0x4c: {  	v5 =	vshll.u32 v5, $0x8;
	s21 =	simm.s32 $0x430;
	[tilespmem:s19+$0xFFFFFFE0] =	vst v1;
	v1 =	vor.u32 s22, v0;
	v12 =	vmulhi.u32 $0xAAAAAAAB, v8  }
0x4d: {  	[tilespmem:s19+$0x20] =	vst v2;
	s20 =	simm.s32 $0x470;
	v2 =	vadd.s32 v5, v15;
	v5 =	vor.u32 s21, v0;
	v18 =	vmulhi.u32 $0xAAAAAAAB, v1  }
0x4e: {  	s30 =	simm.s32 $0x460;
	s31 =	simm.s32 $0x450;
	v4 =	vadd.s32 v4, v14;
	v13 =	vor.u32 s20, v0;
	[tilespmem:s19+$0x10] =	vst v6;
	v6 =	vmulhi.u32 $0xAAAAAAAB, v5  }
0x4f: {  	v10 =	vor.u32 s30, v0;
	[tilespmem:s19+$0xFFFFFFD0] =	vst v4;
	v4 =	vor.u32 s31, v0;
	v16 =	vmulhi.u32 $0xAAAAAAAB, v13  }
0x50: {  	[tilespmem:s19+$0xFFFFFFC0] =	vst v2;
	v2 =	vshrl.u32 v11, $0x5;
	v11 =	vmulhi.u32 $0xAAAAAAAB, v10;
	v12 =	vshrl.u32 v12, $0x5  }
0x51: {  	v14 =	vld [tilespmem:s20+$0xFFFFFFC0];
	v15 =	vmulhi.u32 $0xAAAAAAAB, v4;
	v7 =	vshrl.u32 v7, $0x5;
	v6 =	vshrl.u32 v6, $0x5  }
0x52: {  	v12 =	vmul.u32 $0x30, v12;
	v17 =	vmul.u32 $0x30, v2;
	v6 =	vmul.u32 $0x30, v6  }
0x53: {  	v62 =	vmul.u32 $0x30, v7;
	v11 =	vshrl.u32 v11, $0x5;
	v15 =	vshrl.u32 v15, $0x5  }
0x54: {  	v15 =	vmul.u32 $0x30, v15;
	v63 =	vmul.u32 $0x30, v11;
	v2 =	vsub.s32 v5, v6  }
0x55: {  	v3 =	vsub.s32 v3, v17;
	v5 =	vsub.s32 v8, v12;
	v8 =	vshll.u32 v2, $0x8  }
0x56: {  	v6 =	vshrl.u32 v16, $0x5;
	v12 =	vshrl.u32 v18, $0x5;
	v14 =	vadd.s32 v8, v14;
	v8 =	vld [tilespmem:s20+$0xFFFFFFD0]  }
0x57: {  	v2 =	vld [tilespmem:s20+$0xFFFFFFF0];
	v19 =	vmul.u32 $0x30, v6;
	v7 =	vmul.u32 $0x30, v12;
	v11 =	vsub.s32 v4, v15  }
0x58: {  	v4 =	vshll.u32 v3, $0x8;
	v3 =	vld [tilespmem:s20+$0xFFFFFFB0];
	v6 =	vsub.s32 v9, v62;
	v9 =	vsub.s32 v10, v63  }
0x59: {  	s21 =	simm.s32 $0x4F0;
	s19 =	simm.s32 $0x4F0;
	v12 =	vshll.u32 v6, $0x8;
	v6 =	vshll.u32 v9, $0x8;
	v9 =	vld [tilespmem:s20+$0x0];
	[tilespmem:s20+$0xFFFFFFC0] =	vst v14;
	v10 =	vsub.s32 v13, v19  }
.LBB2_4:
0x5a: {  	s22 =	sadd.s32 $0xFFFFFF90, s19  }
0x5b: {  	s23 =	sadd.s32 $0xFFFFFFA0, s19;
	s24 =	sadd.s32 $0xFFFFFFB0, s19;
	v5 =	vshll.u32 v5, $0x8;
	v8 =	vadd.s32 v12, v8;
	v11 =	vshll.u32 v11, $0x8;
	v12 =	vld [tilespmem:s20+$0xFFFFFFE0];
	s25 =	smov.u32 s19  }
0x5c: {  	s26 =	sadd.s32 $0xFFFFFFE0, s19;
	v1 =	vsub.s32 v1, v7;
	v13 =	vor.u32 s22, v0;
	v14 =	vor.u32 s23, v0;
	s22 =	sadd.s32 $0xFFFFFFC0, s19;
	s23 =	sadd.s32 $0xFFFFFFD0, s19;
	v15 =	vld [tilespmem:s20+$0xFFFFFFA0];
	[tilespmem:s20+$0xFFFFFFD0] =	vst v8  }
0x5d: {  	p0 =	sne.s32 s19, $0x7F0;
	s19 =	sadd.s32 $0x80, s19;
	v17 =	vshll.u32 v1, $0x8;
	v7 =	vor.u32 s22, v0;
	v16 =	vor.u32 s23, v0;
	s22 =	sadd.s32 $0xFFFFFFF0, s25;
	v8 =	vld [tilespmem:s20+$0xFFFFFF90]  }
0x5e: {  	v1 =	vshll.u32 v10, $0x8;
	v18 =	vmulhi.u32 $0xAAAAAAAB, v16;
	v19 =	vor.u32 s22, v0;
	v20 =	vld [tilespmem:s21+$0xFFFFFFF0]  }
0x5f: {  	v21 =	vor.u32 s26, v0;
	v10 =	vmulhi.u32 $0xAAAAAAAB, v7;
	v9 =	vadd.s32 v1, v9  }
0x60: {  	v2 =	vadd.s32 v6, v2;
	v22 =	vor.u32 s25, v0;
	v1 =	vor.u32 s24, v0;
	[tilespmem:s20+$0x0] =	vst v9  }
0x61: {  	v6 =	vmulhi.u32 $0xAAAAAAAB, v14;
	v9 =	vadd.s32 v11, v12;
	v4 =	vadd.s32 v4, v15;
	[tilespmem:s20+$0xFFFFFFF0] =	vst v2  }
0x62: {  	v11 =	vmulhi.u32 $0xAAAAAAAB, v13;
	v5 =	vadd.s32 v5, v8;
	v8 =	vadd.s32 v17, v3;
	[tilespmem:s20+$0xFFFFFFE0] =	vst v9  }
0x63: {  	v3 =	vshrl.u32 v6, $0x5;
	v6 =	vmulhi.u32 $0xAAAAAAAB, v19;
	[tilespmem:s20+$0xFFFFFFB0] =	vst v8;
	v2 =	vmov v20  }
0x64: {  	v9 =	vshrl.u32 v10, $0x5;
	v8 =	vshrl.u32 v11, $0x5;
	v11 =	vmulhi.u32 $0xAAAAAAAB, v21;
	v10 =	vld [tilespmem:s21+$0xFFFFFFC0];
	[tilespmem:s20+$0xFFFFFFA0] =	vst v4  }
0x65: {  	v4 =	vmul.u32 $0x30, v9;
	v6 =	vshrl.u32 v6, $0x5;
	v9 =	vmulhi.u32 $0xAAAAAAAB, v22;
	[tilespmem:s20+$0xFFFFFF90] =	vst v5;
	s20 =	smov.u32 s21  }
0x66: {  	v3 =	vmul.u32 $0x30, v3;
	v5 =	vmul.u32 $0x30, v8;
	v11 =	vshrl.u32 v11, $0x5  }
0x67: {  	v8 =	vmulhi.u32 $0xAAAAAAAB, v1;
	v4 =	vsub.s32 v7, v4;
	v7 =	vshrl.u32 v9, $0x5  }
0x68: {  	v9 =	vshrl.u32 v18, $0x5;
	v5 =	vsub.s32 v13, v5;
	v4 =	vshll.u32 v4, $0x8  }
.Ltmp3:
0x69: {  	v12 =	vshrl.u32 v8, $0x5;
	v4 =	vadd.s32 v4, v10;
	v8 =	vld [tilespmem:s21+$0xFFFFFFD0];
	v10 =	vmul.u32 $0x30, v11;
	(pc) =	sbr.rel @p0 .LBB2_4-.Ltmp3, $4  }
0x6a: {  	v6 =	vmul.u32 $0x30, v6;
	v9 =	vmul.u32 $0x30, v9;
	v13 =	vmul.u32 $0x30, v7;
	[tilespmem:s21+$0xFFFFFFC0] =	vst v4  }
0x6b: {  	v3 =	vsub.s32 v14, v3;
	v7 =	vmul.u32 $0x30, v12;
	v11 =	vsub.s32 v21, v10  }
0x6c: {  	v6 =	vsub.s32 v19, v6;
	v9 =	vsub.s32 v16, v9;
	v4 =	vshll.u32 v3, $0x8;
	v3 =	vld [tilespmem:s21+$0xFFFFFFB0]  }
0x6d: {  	v6 =	vshll.u32 v6, $0x8;
	v12 =	vshll.u32 v9, $0x8;
	v10 =	vsub.s32 v22, v13;
	s21 =	sadd.s32 $0x80, s21;
	v9 =	vld [tilespmem:s20+$0x0]  }
0x6e: {  	v13 =	vld [tilespmem:s20+$0xFFFFFFE0]  }
0x6f: {  	v8 =	vadd.s32 v12, v8;
	v60 =	vld [tilespmem:s20+$0xFFFFFFA0];
	v1 =	vsub.s32 v1, v7  }
0x70: {  	v61 =	vld [tilespmem:s20+$0xFFFFFF90];
	v2 =	vadd.s32 v6, v2;
	[tilespmem:s20+$0xFFFFFFD0] =	vst v8;
	v1 =	vshll.u32 v1, $0x8  }
0x71: {  	v10 =	vshll.u32 v10, $0x8;
	[tilespmem:s20+$0xFFFFFFF0] =	vst v2;
	v1 =	vadd.s32 v1, v3  }
.Ltmp4:
0x72: {  	v62 =	vshll.u32 v11, $0x8;
	v9 =	vadd.s32 v10, v9;
	[tilespmem:s20+$0xFFFFFFB0] =	vst v1;
	(pc) =	sbr.rel .LBB2_6-.Ltmp4, $4  }
0x73: {  	[tilespmem:s20+$0x0] =	vst v9;
	v63 =	vadd.s32 v62, v13  }
0x74: {  	v2 =	vshll.u32 v5, $0x8;
	v3 =	vadd.s32 v4, v60;
	[tilespmem:s20+$0xFFFFFFE0] =	vst v63  }
0x75: {  	s19 =	simm.s32 $0x0;
	v1 =	vadd.s32 v2, v61;
	[tilespmem:s20+$0xFFFFFFA0] =	vst v3  }
0x76: {  	s21 =	simm.s32 $0xC70;
	s22 =	simm.s32 $0x0;
	[tilespmem:s20+$0xFFFFFF90] =	vst v1;
	s20 =	simm.s32 $0x870  }
.LBB2_16:
0x77: {  	s22 =	sadd.s32 $0x1, s22  }
0x78: {  	s0 =	sadd.s32 $0x10000, s28;
	_ =	swait.ge [sflag:s14], $0x4000;
	p0 =	sne.s32 s22, $0x8  }
.Ltmp5:
0x79: {  	s23 =	sadd.s32 s3, s23;
	s19 =	sadd.s32 $0xC00, s19;
	(pc) =	sbr.rel @!p0 .LBB2_17-.Ltmp5, $4  }
0x7a: {  	s20 =	sadd.s32 $0xC00, s20;
	s21 =	sadd.s32 $0xC00, s21;
	s0 =	sand.u32 $0x30000, s0  }
0x7b: {  	[sflag:s14] =	ssyncset.done $0x0;
	s23 =	sshrl.u32 s23, $0x3;
	s0 =	sshrl.u32 s0, $0x2  }
0x7c: {  	[sflag:s14] =	ssyncadd.s32 $0xFFFFC000;
	s23 =	sadd.s32 s4, s23;
	s0 =	sadd.s32 $0x6000, s0  }
0x7d: {  	[hbm4b:s23+s2] =	stream.linear.scatter [tilespmem:s0], [sflag:$0x4], $0x4000, $0x38;
	[tilespmem:$0x16000] =	vst v63  }
.LBB2_6:
0x7e: {  	p0 =	slt.u32 s22, $0x2  }
0x7f: {  	s24 =	smul.u32 $0xC000, s22;
	s23 =	simm.s32 @!p0 $0x4  }
0x80: {  	s25 =	smul.u32 $0x3000, s22;
	_ =	swait.ge @!p0 [sflag:s23], $0x4000  }
0x81: {  	s24 =	sand.u32 $0xC000, s24;
	[sflag:s23] =	ssyncset.done @!p0 $0x0  }
0x82: {  	s25 =	sshra.s32 s25, $0x2;
	s29 =	sadd.s32 $0x6000, s24;
	[sflag:s23] =	ssyncadd.s32 @!p0 $0xFFFFC000  }
0x83: {  	[tilespmem:s29], [sflag:$0x1] =	stream.indirect.gather [hbm4b:s6+s12], $0x10, s25, s12, $0xb8;
	[tilespmem:$0x16000] =	vst v63  }
0x84: {  	s30 =	sadd.s32 $0x6800, s24;
	s26 =	sor.u32 $0x80, s25  }
0x85: {  	[tilespmem:s30], [sflag:$0x1] =	stream.indirect.gather [hbm4b:s6+s12], $0x10, s26, s12, $0xb8;
	[tilespmem:$0x16000] =	vst v63  }
0x86: {  	s31 =	sadd.s32 $0x7000, s24;
	s0 =	sor.u32 $0x100, s25  }
0x87: {  	[tilespmem:s31], [sflag:$0x1] =	stream.indirect.gather [hbm4b:s6+s12], $0x10, s0, s12, $0xb8;
	[tilespmem:$0x16000] =	vst v63  }
0x88: {  	s28 =	sor.u32 $0x180, s25;
	s26 =	sadd.s32 $0x7800, s24  }
0x89: {  	[tilespmem:s26], [sflag:$0x1] =	stream.indirect.gather [hbm4b:s6+s12], $0x10, s28, s12, $0xb8;
	[tilespmem:$0x16000] =	vst v63  }
0x8a: {  	s23 =	sadd.s32 $0x0, s19;
	s29 =	sadd.s32 $0x8000, s24;
	s30 =	sor.u32 $0x200, s25  }
0x8b: {  	[tilespmem:s29], [sflag:$0x1] =	stream.indirect.gather [hbm4b:s6+s12], $0x10, s30, s12, $0xb8;
	[tilespmem:$0x16000] =	vst v63  }
0x8c: {  	s30 =	sadd.s32 $0x800, s23  }
0x8d: {  	s31 =	sadd.s32 $0x8800, s24;
	s0 =	sor.u32 $0x280, s25;
	v8 =	vor.u32 s30, v0;
	s30 =	sadd.s32 $0x850, s23  }
0x8e: {  	[tilespmem:s31], [sflag:$0x1] =	stream.indirect.gather [hbm4b:s6+s12], $0x10, s0, s12, $0xb8;
	[tilespmem:$0x16000] =	vst v63  }
0x8f: {  	s28 =	sadd.s32 $0x9000, s24;
	s31 =	sadd.s32 $0x810, s23;
	v9 =	vmulhi.u32 $0xAAAAAAAB, v8;
	v2 =	vor.u32 s30, v0  }
0x90: {  	s29 =	sor.u32 $0x300, s25;
	s0 =	sadd.s32 $0x820, s23;
	v7 =	vor.u32 s31, v0;
	s31 =	sadd.s32 $0x870, s23;
	v18 =	vmulhi.u32 $0xAAAAAAAB, v2  }
0x91: {  	v6 =	vor.u32 s0, v0;
	[tilespmem:s28], [sflag:$0x1] =	stream.indirect.gather [hbm4b:s6+s12], $0x10, s29, s12, $0xb8;
	v10 =	vmulhi.u32 $0xAAAAAAAB, v7;
	[tilespmem:$0x16000] =	vst v63  }
0x92: {  	s28 =	sadd.s32 $0x830, s23;
	v12 =	vmulhi.u32 $0xAAAAAAAB, v6;
	v3 =	vor.u32 s31, v0  }
0x93: {  	s24 =	sadd.s32 $0x9800, s24;
	s29 =	sadd.s32 $0x840, s23;
	v5 =	vor.u32 s28, v0;
	v19 =	vmulhi.u32 $0xAAAAAAAB, v3  }
0x94: {  	s25 =	sor.u32 $0x380, s25;
	v9 =	vshrl.u32 v9, $0x5;
	v4 =	vor.u32 s29, v0;
	s28 =	sadd.s32 $0x860, s23;
	s23 =	smul.u32 $0x3, s22;
	v13 =	vmulhi.u32 $0xAAAAAAAB, v5  }
0x95: {  	v17 =	vmul.u32 $0x30, v9;
	v15 =	vmulhi.u32 $0xAAAAAAAB, v4;
	v1 =	vor.u32 s28, v0;
	[tilespmem:s24], [sflag:$0x1] =	stream.indirect.gather [hbm4b:s6+s12], $0x10, s25, s12, $0xb8;
	[tilespmem:$0x16000] =	vst v63  }
0x96: {  	v11 =	vshrl.u32 v10, $0x5;
	v16 =	vshrl.u32 v12, $0x5;
	v10 =	vld [tilespmem:s20+$0xFFFFFF90];
	v14 =	vshrl.u32 v13, $0x5  }
0x97: {  	s26 =	simm.s32 $0x80;
	s25 =	smov.u32 s20;
	s24 =	sadd.s32 $0x2, s23;
	v9 =	vld [tilespmem:s20+$0xFFFFFFA0];
	v12 =	vshrl.u32 v15, $0x5;
	v15 =	vshrl.u32 v18, $0x5;
	v13 =	vshrl.u32 v19, $0x5  }
.LBB2_7:
0x98: {  	p0 =	sne.s32 s26, $0x380;
	v11 =	vmul.u32 $0x30, v11;
	v16 =	vmul.u32 $0x30, v16;
	v18 =	vld [tilespmem:s25+$0xFFFFFFB0];
	v14 =	vmul.u32 $0x30, v14  }
0x99: {  	v12 =	vmul.u32 $0x30, v12;
	v15 =	vmul.u32 $0x30, v15;
	v8 =	vsub.s32 v8, v17;
	v17 =	vld [tilespmem:s25+$0xFFFFFFC0]  }
0x9a: {  	v13 =	vmul.u32 $0x30, v13;
	v8 =	vshll.u32 v8, $0x8;
	v7 =	vsub.s32 v7, v11;
	v11 =	vld [tilespmem:s25+$0xFFFFFFD0]  }
0x9b: {  	v6 =	vsub.s32 v6, v16;
	v8 =	vadd.s32 v8, v10;
	v7 =	vshll.u32 v7, $0x8;
	v10 =	vld [tilespmem:s25+$0xFFFFFFE0]  }
0x9c: {  	v5 =	vsub.s32 v5, v14;
	v6 =	vshll.u32 v6, $0x8;
	[tilespmem:s25+$0xFFFFFF90] =	vst v8;
	v7 =	vadd.s32 v7, v9;
	v9 =	vld [tilespmem:s25+$0x0]  }
0x9d: {  	v4 =	vsub.s32 v4, v12;
	v5 =	vshll.u32 v5, $0x8;
	[tilespmem:s25+$0xFFFFFFA0] =	vst v7;
	v6 =	vadd.s32 v6, v18;
	v12 =	vld [tilespmem:s25+$0xFFFFFFF0]  }
0x9e: {  	v2 =	vsub.s32 v2, v15;
	v4 =	vshll.u32 v4, $0x8;
	[tilespmem:s25+$0xFFFFFFB0] =	vst v6;
	v5 =	vadd.s32 v5, v17  }
0x9f: {  	s28 =	sadd.s32 s26, s19;
	v3 =	vsub.s32 v3, v13;
	v2 =	vshll.u32 v2, $0x8;
	[tilespmem:s25+$0xFFFFFFC0] =	vst v5;
	v4 =	vadd.s32 v4, v11  }
0xa0: {  	s29 =	sadd.s32 $0x800, s28;
	s30 =	sadd.s32 $0x860, s28;
	v3 =	vshll.u32 v3, $0x8;
	[tilespmem:s25+$0xFFFFFFD0] =	vst v4;
	v2 =	vadd.s32 v2, v10;
	v4 =	vmulhi.u32 $0xAAAAAAAB, v1  }
0xa1: {  	v8 =	vor.u32 s29, v0;
	s29 =	sadd.s32 $0x810, s28;
	v10 =	vor.u32 s30, v0;
	[tilespmem:s25+$0xFFFFFFE0] =	vst v2;
	v2 =	vadd.s32 v3, v9  }
0xa2: {  	v7 =	vor.u32 s29, v0;
	s29 =	sadd.s32 $0x820, s28;
	v9 =	vmulhi.u32 $0xAAAAAAAB, v8;
	v3 =	vshrl.u32 v4, $0x5;
	[tilespmem:s25+$0x0] =	vst v2  }
0xa3: {  	v6 =	vor.u32 s29, v0;
	s29 =	sadd.s32 $0x830, s28;
	v11 =	vmulhi.u32 $0xAAAAAAAB, v7;
	v2 =	vmul.u32 $0x30, v3  }
0xa4: {  	v13 =	vmulhi.u32 $0xAAAAAAAB, v6;
	v5 =	vor.u32 s29, v0;
	s29 =	sadd.s32 $0x840, s28  }
0xa5: {  	v14 =	vmulhi.u32 $0xAAAAAAAB, v5;
	v4 =	vor.u32 s29, v0;
	s29 =	sadd.s32 $0x850, s28;
	v3 =	vsub.s32 v1, v2;
	v1 =	vmovc v10  }
.Ltmp6:
0xa6: {  	s28 =	sadd.s32 $0x870, s28;
	v15 =	vmulhi.u32 $0xAAAAAAAB, v4;
	v2 =	vor.u32 s29, v0;
	v10 =	vshll.u32 v3, $0x8;
	(pc) =	sbr.rel @p0 .LBB2_7-.Ltmp6, $4  }
0xa7: {  	v18 =	vmulhi.u32 $0xAAAAAAAB, v2;
	v3 =	vor.u32 s28, v0;
	v10 =	vadd.s32 v10, v12  }
0xa8: {  	v11 =	vshrl.u32 v11, $0x5;
	v9 =	vshrl.u32 v9, $0x5;
	v19 =	vmulhi.u32 $0xAAAAAAAB, v3;
	[tilespmem:s25+$0xFFFFFFF0] =	vst v10;
	s25 =	sadd.s32 $0x80, s25  }
0xa9: {  	v16 =	vshrl.u32 v13, $0x5;
	v14 =	vshrl.u32 v14, $0x5;
	v12 =	vshrl.u32 v15, $0x5;
	v10 =	vld [tilespmem:s25+$0xFFFFFF90]  }
0xaa: {  	s26 =	sadd.s32 $0x80, s26;
	v17 =	vmul.u32 $0x30, v9;
	v15 =	vshrl.u32 v18, $0x5;
	v13 =	vshrl.u32 v19, $0x5;
	v9 =	vld [tilespmem:s25+$0xFFFFFFA0]  }
0xab: {  	v11 =	vmul.u32 $0x30, v11;
	v16 =	vmul.u32 $0x30, v16;
	v14 =	vmul.u32 $0x30, v14  }
0xac: {  	v18 =	vld [tilespmem:s25+$0xFFFFFFB0];
	v12 =	vmul.u32 $0x30, v12;
	v15 =	vmul.u32 $0x30, v15;
	v8 =	vsub.s32 v8, v17  }
0xad: {  	v55 =	vld [tilespmem:s25+$0xFFFFFFC0];
	v56 =	vmul.u32 $0x30, v13;
	v59 =	vmulhi.u32 $0xAAAAAAAB, v1;
	v8 =	vshll.u32 v8, $0x8  }
0xae: {  	v57 =	vld [tilespmem:s25+$0xFFFFFFD0];
	v7 =	vsub.s32 v7, v11;
	v6 =	vsub.s32 v6, v16;
	v5 =	vsub.s32 v5, v14  }
0xaf: {  	v58 =	vld [tilespmem:s25+$0xFFFFFFE0];
	v4 =	vsub.s32 v4, v12;
	v8 =	vadd.s32 v8, v10;
	v7 =	vshll.u32 v7, $0x8  }
0xb0: {  	v60 =	vld [tilespmem:s25+$0x0];
	v62 =	vshrl.u32 v59, $0x5;
	v6 =	vshll.u32 v6, $0x8;
	[tilespmem:s25+$0xFFFFFF90] =	vst v8;
	v7 =	vadd.s32 v7, v9  }
0xb1: {  	v61 =	vld [tilespmem:s25+$0xFFFFFFF0];
	v2 =	vsub.s32 v2, v15;
	v5 =	vshll.u32 v5, $0x8;
	v6 =	vadd.s32 v6, v18;
	[tilespmem:s25+$0xFFFFFFA0] =	vst v7  }
0xb2: {  	v4 =	vshll.u32 v4, $0x8;
	v63 =	vmul.u32 $0x30, v62;
	v5 =	vadd.s32 v5, v55;
	[tilespmem:s25+$0xFFFFFFB0] =	vst v6  }
0xb3: {  	v3 =	vsub.s32 v3, v56;
	v2 =	vshll.u32 v2, $0x8;
	v4 =	vadd.s32 v4, v57;
	[tilespmem:s25+$0xFFFFFFC0] =	vst v5  }
0xb4: {  	v3 =	vshll.u32 v3, $0x8;
	v2 =	vadd.s32 v2, v58;
	v1 =	vsub.s32 v1, v63;
	[tilespmem:s25+$0xFFFFFFD0] =	vst v4  }
0xb5: {  	p0 =	seq.s32 s22, $0x0;
	[tilespmem:s25+$0xFFFFFFE0] =	vst v2;
	v2 =	vadd.s32 v3, v60;
	v1 =	vshll.u32 v1, $0x8  }
0xb6: {  	s26 =	smul.u32 @!p0 $0xC00, s22;
	[tilespmem:s25+$0x0] =	vst v2;
	v1 =	vadd.s32 v1, v61  }
0xb7: {  	s28 =	sshll.u32 @!p0 s22, $0x10;
	[tilespmem:s25+$0xFFFFFFF0] =	vst v1;
	s25 =	simm.s32 @!p0 $0x3  }
0xb8: {  	s28 =	ssub.s32 @!p0 $0x30000, s28;
	s26 =	sadd.s32 @!p0 s26, s8;
	_ =	swait.ge @!p0 [sflag:s25], $0x4000  }
0xb9: {  	s28 =	sand.u32 @!p0 $0x30000, s28;
	s26 =	sshll.u32 @!p0 s26, $0x1;
	[sflag:s25] =	ssyncset.done @!p0 $0x0  }
0xba: {  	s26 =	sand.u32 @!p0 $0x1FFFF800, s26;
	[sflag:s25] =	ssyncadd.s32 @!p0 $0xFFFFC000;
	s25 =	sshrl.u32 @!p0 s28, $0x2  }
0xbb: {  	s26 =	sadd.s32 @!p0 s4, s26;
	s28 =	simm.s32 @!p0 $0x0;
	s25 =	sadd.s32 @!p0 $0x6000, s25  }
0xbc: {  	[hbm4b:s26+s28] =	stream.linear.scatter @!p0 [tilespmem:s25], [sflag:$0x4], $0x4000, $0x38;
	[tilespmem:$0x16000] =	vst v63  }
0xbd: {  	s25 =	sadd.s32 @!p0 $0x1, s23  }
0xbe: {  	s26 =	simm.s32 @!p0 $0x4;
	s25 =	simm.s32 @p0 $0x1  }
0xbf: {  	_ =	swait.ge @!p0 [sflag:s26], $0x4000;
	s23 =	sshll.u32 s25, $0xE  }
0xc0: {  	[sflag:s26] =	ssyncset.done @!p0 $0x0;
	s25 =	sshll.u32 s25, $0xA;
	s28 =	sand.u32 $0xC000, s23  }
0xc1: {  	[sflag:s26] =	ssyncadd.s32 @!p0 $0xFFFFC000;
	s25 =	sand.u32 $0x3FFFFC00, s25;
	s29 =	sadd.s32 $0x6000, s28  }
0xc2: {  	[tilespmem:s29], [sflag:$0x2] =	stream.indirect.gather [hbm4b:s6+s12], $0x10, s25, s12, $0xb8;
	[tilespmem:$0x16000] =	vst v63  }
0xc3: {  	s31 =	sadd.s32 $0x6800, s28;
	s30 =	sor.u32 $0x80, s25  }
0xc4: {  	[tilespmem:s31], [sflag:$0x2] =	stream.indirect.gather [hbm4b:s6+s12], $0x10, s30, s12, $0xb8;
	[tilespmem:$0x16000] =	vst v63  }
0xc5: {  	s0 =	sadd.s32 $0x7000, s28;
	s31 =	sor.u32 $0x100, s25  }
0xc6: {  	[tilespmem:s0], [sflag:$0x2] =	stream.indirect.gather [hbm4b:s6+s12], $0x10, s31, s12, $0xb8;
	[tilespmem:$0x16000] =	vst v63  }
0xc7: {  	s0 =	sadd.s32 $0x7800, s28;
	s31 =	sor.u32 $0x180, s25  }
0xc8: {  	[tilespmem:s0], [sflag:$0x2] =	stream.indirect.gather [hbm4b:s6+s12], $0x10, s31, s12, $0xb8;
	[tilespmem:$0x16000] =	vst v63  }
0xc9: {  	s0 =	sadd.s32 $0x8000, s28;
	s31 =	sor.u32 $0x200, s25  }
0xca: {  	[tilespmem:s0], [sflag:$0x2] =	stream.indirect.gather [hbm4b:s6+s12], $0x10, s31, s12, $0xb8;
	[tilespmem:$0x16000] =	vst v63  }
0xcb: {  	p1 =	seq.s32 s22, $0x7;
	s0 =	sadd.s32 $0x8800, s28;
	s31 =	sor.u32 $0x280, s25  }
0xcc: {  	[tilespmem:s0], [sflag:$0x2] =	stream.indirect.gather [hbm4b:s6+s12], $0x10, s31, s12, $0xb8;
	[tilespmem:$0x16000] =	vst v63  }
.Ltmp7:
0xcd: {  	s0 =	sadd.s32 $0x9000, s28;
	s31 =	sor.u32 $0x300, s25;
	(pc) =	sbr.rel @p1 .LBB2_12-.Ltmp7, $4  }
0xce: {  	[tilespmem:s0], [sflag:$0x2] =	stream.indirect.gather [hbm4b:s6+s12], $0x10, s31, s12, $0xb8;
	[tilespmem:$0x16000] =	vst v63  }
0xcf: {  	s28 =	sadd.s32 $0x9800, s28;
	s25 =	sor.u32 $0x380, s25  }
0xd0: {  	[tilespmem:s28], [sflag:$0x2] =	stream.indirect.gather [hbm4b:s6+s12], $0x10, s25, s12, $0xb8;
	[tilespmem:$0x16000] =	vst v63  }
0xd1: {  	s25 =	simm.s32 $0x5400  }
0xd2: {  	s25 =	sadd.s32 $0x0, s19  }
0xd3: {  	s28 =	sadd.s32 $0xC00, s25  }
0xd4: {  	v8 =	vor.u32 s28, v0;
	s28 =	sadd.s32 $0xC10, s25  }
0xd5: {  	v9 =	vmulhi.u32 $0xAAAAAAAB, v8;
	v7 =	vor.u32 s28, v0;
	s28 =	sadd.s32 $0xC20, s25  }
0xd6: {  	v10 =	vmulhi.u32 $0xAAAAAAAB, v7;
	v6 =	vor.u32 s28, v0;
	s28 =	sadd.s32 $0xC30, s25  }
0xd7: {  	v12 =	vmulhi.u32 $0xAAAAAAAB, v6;
	v5 =	vor.u32 s28, v0;
	s28 =	sadd.s32 $0xC40, s25  }
0xd8: {  	v13 =	vmulhi.u32 $0xAAAAAAAB, v5;
	v4 =	vor.u32 s28, v0;
	s28 =	sadd.s32 $0xC50, s25  }
0xd9: {  	s29 =	sadd.s32 $0xC60, s25;
	s25 =	sadd.s32 $0xC70, s25;
	v15 =	vmulhi.u32 $0xAAAAAAAB, v4;
	v3 =	vor.u32 s28, v0  }
0xda: {  	v1 =	vor.u32 s29, v0;
	v2 =	vor.u32 s25, v0;
	v18 =	vmulhi.u32 $0xAAAAAAAB, v3  }
0xdb: {  	v9 =	vshrl.u32 v9, $0x5;
	v11 =	vshrl.u32 v10, $0x5;
	v19 =	vmulhi.u32 $0xAAAAAAAB, v2  }
0xdc: {  	v10 =	vld [tilespmem:s21+$0xFFFFFF90];
	v17 =	vmul.u32 $0x30, v9;
	v16 =	vshrl.u32 v12, $0x5;
	v14 =	vshrl.u32 v13, $0x5  }
0xdd: {  	s29 =	simm.s32 $0x80;
	v9 =	vld [tilespmem:s21+$0xFFFFFFA0];
	s25 =	smul.u32 $0xC00, s22;
	s28 =	smov.u32 s21;
	v12 =	vshrl.u32 v15, $0x5;
	v15 =	vshrl.u32 v18, $0x5;
	v13 =	vshrl.u32 v19, $0x5  }
.LBB2_10:
0xde: {  	p2 =	sne.s32 s29, $0x380;
	v11 =	vmul.u32 $0x30, v11;
	v16 =	vmul.u32 $0x30, v16;
	v18 =	vld [tilespmem:s28+$0xFFFFFFB0];
	v14 =	vmul.u32 $0x30, v14  }
0xdf: {  	v12 =	vmul.u32 $0x30, v12;
	v15 =	vmul.u32 $0x30, v15;
	v8 =	vsub.s32 v8, v17;
	v17 =	vld [tilespmem:s28+$0xFFFFFFC0]  }
0xe0: {  	v13 =	vmul.u32 $0x30, v13;
	v8 =	vshll.u32 v8, $0x8;
	v7 =	vsub.s32 v7, v11;
	v11 =	vld [tilespmem:s28+$0xFFFFFFD0]  }
0xe1: {  	v6 =	vsub.s32 v6, v16;
	v8 =	vadd.s32 v8, v10;
	v7 =	vshll.u32 v7, $0x8;
	v10 =	vld [tilespmem:s28+$0xFFFFFFE0]  }
0xe2: {  	v5 =	vsub.s32 v5, v14;
	v6 =	vshll.u32 v6, $0x8;
	[tilespmem:s28+$0xFFFFFF90] =	vst v8;
	v7 =	vadd.s32 v7, v9;
	v9 =	vld [tilespmem:s28+$0x0]  }
0xe3: {  	v4 =	vsub.s32 v4, v12;
	v5 =	vshll.u32 v5, $0x8;
	[tilespmem:s28+$0xFFFFFFA0] =	vst v7;
	v6 =	vadd.s32 v6, v18;
	v12 =	vld [tilespmem:s28+$0xFFFFFFF0]  }
0xe4: {  	v3 =	vsub.s32 v3, v15;
	v4 =	vshll.u32 v4, $0x8;
	[tilespmem:s28+$0xFFFFFFB0] =	vst v6;
	v5 =	vadd.s32 v5, v17  }
0xe5: {  	s30 =	sadd.s32 s29, s19;
	v2 =	vsub.s32 v2, v13;
	v3 =	vshll.u32 v3, $0x8;
	[tilespmem:s28+$0xFFFFFFC0] =	vst v5;
	v4 =	vadd.s32 v4, v11  }
0xe6: {  	s31 =	sadd.s32 $0xC00, s30;
	s0 =	sadd.s32 $0xC60, s30;
	v2 =	vshll.u32 v2, $0x8;
	[tilespmem:s28+$0xFFFFFFD0] =	vst v4;
	v3 =	vadd.s32 v3, v10;
	v4 =	vmulhi.u32 $0xAAAAAAAB, v1  }
0xe7: {  	v8 =	vor.u32 s31, v0;
	s31 =	sadd.s32 $0xC10, s30;
	v10 =	vor.u32 s0, v0;
	[tilespmem:s28+$0xFFFFFFE0] =	vst v3;
	v2 =	vadd.s32 v2, v9  }
0xe8: {  	v7 =	vor.u32 s31, v0;
	s0 =	sadd.s32 $0xC20, s30;
	v9 =	vmulhi.u32 $0xAAAAAAAB, v8;
	v3 =	vshrl.u32 v4, $0x5;
	[tilespmem:s28+$0x0] =	vst v2  }
0xe9: {  	v11 =	vmulhi.u32 $0xAAAAAAAB, v7;
	v6 =	vor.u32 s0, v0;
	s0 =	sadd.s32 $0xC30, s30;
	v2 =	vmul.u32 $0x30, v3  }
0xea: {  	v13 =	vmulhi.u32 $0xAAAAAAAB, v6;
	v5 =	vor.u32 s0, v0;
	s0 =	sadd.s32 $0xC40, s30  }
0xeb: {  	v14 =	vmulhi.u32 $0xAAAAAAAB, v5;
	v4 =	vor.u32 s0, v0;
	s0 =	sadd.s32 $0xC50, s30;
	v2 =	vsub.s32 v1, v2;
	v1 =	vmovc v10  }
.Ltmp8:
0xec: {  	v15 =	vmulhi.u32 $0xAAAAAAAB, v4;
	v3 =	vor.u32 s0, v0;
	s0 =	sadd.s32 $0xC70, s30;
	v10 =	vshll.u32 v2, $0x8;
	(pc) =	sbr.rel @p2 .LBB2_10-.Ltmp8, $4  }
0xed: {  	v18 =	vmulhi.u32 $0xAAAAAAAB, v3;
	v2 =	vor.u32 s0, v0;
	v10 =	vadd.s32 v10, v12  }
0xee: {  	v11 =	vshrl.u32 v11, $0x5;
	v9 =	vshrl.u32 v9, $0x5;
	v19 =	vmulhi.u32 $0xAAAAAAAB, v2;
	[tilespmem:s28+$0xFFFFFFF0] =	vst v10;
	s28 =	sadd.s32 $0x80, s28  }
0xef: {  	v16 =	vshrl.u32 v13, $0x5;
	v14 =	vshrl.u32 v14, $0x5;
	v12 =	vshrl.u32 v15, $0x5;
	v10 =	vld [tilespmem:s28+$0xFFFFFF90]  }
0xf0: {  	s29 =	sadd.s32 $0x80, s29;
	v17 =	vmul.u32 $0x30, v9;
	v15 =	vshrl.u32 v18, $0x5;
	v13 =	vshrl.u32 v19, $0x5;
	v9 =	vld [tilespmem:s28+$0xFFFFFFA0]  }
0xf1: {  	v11 =	vmul.u32 $0x30, v11;
	v16 =	vmul.u32 $0x30, v16;
	v14 =	vmul.u32 $0x30, v14  }
0xf2: {  	v18 =	vld [tilespmem:s28+$0xFFFFFFB0];
	v12 =	vmul.u32 $0x30, v12;
	v15 =	vmul.u32 $0x30, v15;
	v8 =	vsub.s32 v8, v17  }
0xf3: {  	v55 =	vld [tilespmem:s28+$0xFFFFFFC0];
	v56 =	vmul.u32 $0x30, v13;
	v59 =	vmulhi.u32 $0xAAAAAAAB, v1;
	v8 =	vshll.u32 v8, $0x8  }
0xf4: {  	v57 =	vld [tilespmem:s28+$0xFFFFFFD0];
	v7 =	vsub.s32 v7, v11;
	v6 =	vsub.s32 v6, v16;
	v5 =	vsub.s32 v5, v14  }
0xf5: {  	v58 =	vld [tilespmem:s28+$0xFFFFFFE0];
	v4 =	vsub.s32 v4, v12;
	v8 =	vadd.s32 v8, v10;
	v7 =	vshll.u32 v7, $0x8  }
0xf6: {  	v60 =	vld [tilespmem:s28+$0x0];
	v62 =	vshrl.u32 v59, $0x5;
	v6 =	vshll.u32 v6, $0x8;
	[tilespmem:s28+$0xFFFFFF90] =	vst v8;
	v7 =	vadd.s32 v7, v9  }
0xf7: {  	v61 =	vld [tilespmem:s28+$0xFFFFFFF0];
	v3 =	vsub.s32 v3, v15;
	v5 =	vshll.u32 v5, $0x8;
	v6 =	vadd.s32 v6, v18;
	[tilespmem:s28+$0xFFFFFFA0] =	vst v7  }
0xf8: {  	v4 =	vshll.u32 v4, $0x8;
	v63 =	vmul.u32 $0x30, v62;
	v5 =	vadd.s32 v5, v55;
	[tilespmem:s28+$0xFFFFFFB0] =	vst v6  }
0xf9: {  	v2 =	vsub.s32 v2, v56;
	v3 =	vshll.u32 v3, $0x8;
	v4 =	vadd.s32 v4, v57;
	[tilespmem:s28+$0xFFFFFFC0] =	vst v5  }
0xfa: {  	v2 =	vshll.u32 v2, $0x8;
	v3 =	vadd.s32 v3, v58;
	v1 =	vsub.s32 v1, v63;
	[tilespmem:s28+$0xFFFFFFD0] =	vst v4  }
0xfb: {  	v2 =	vadd.s32 v2, v60;
	[tilespmem:s28+$0xFFFFFFE0] =	vst v3;
	v1 =	vshll.u32 v1, $0x8  }
0xfc: {  	[tilespmem:s28+$0x0] =	vst v2;
	v1 =	vadd.s32 v1, v61  }
0xfd: {  	[tilespmem:s28+$0xFFFFFFF0] =	vst v1  }
.LBB2_12:
0xfe: {  	s28 =	smul.u32 $0x30000, s22;
	_ =	sdelay $0x1  }
0xff: {  	_ =	swait.ge [sflag:s13], $0x4000;
	s0 =	sadd.s32 s5, s25;
	s29 =	sand.u32 $0x30000, s28  }
0x100: {  	[sflag:s13] =	ssyncset.done $0x0;
	s0 =	sshll.u32 s0, $0x1;
	s29 =	sshrl.u32 s29, $0x2  }
0x101: {  	[sflag:s13] =	ssyncadd.s32 $0xFFFFC000;
	s0 =	sadd.s32 s4, s0;
	s29 =	sadd.s32 $0x6000, s29  }
0x102: {  	[hbm4b:s0+s2] =	stream.linear.scatter [tilespmem:s29], [sflag:$0x4], $0x4000, $0x38;
	[tilespmem:$0x16000] =	vst v63  }
0x103: {  	s30 =	sshll.u32 s24, $0xE;
	_ =	swait.ge @!p0 [sflag:s26], $0x4000  }
0x104: {  	s31 =	sshll.u32 s24, $0xA;
	s0 =	sand.u32 $0xC000, s30;
	[sflag:s26] =	ssyncset.done @!p0 $0x0  }
0x105: {  	s24 =	sand.u32 $0x3FFFFC00, s31;
	s29 =	sadd.s32 $0x6000, s0;
	[sflag:s26] =	ssyncadd.s32 @!p0 $0xFFFFC000  }
0x106: {  	[tilespmem:s29], [sflag:$0x3] =	stream.indirect.gather [hbm4b:s6+s12], $0x10, s24, s12, $0xb8;
	[tilespmem:$0x16000] =	vst v63  }
0x107: {  	s31 =	sor.u32 $0x80, s24;
	s30 =	sadd.s32 $0x6800, s0  }
0x108: {  	[tilespmem:s30], [sflag:$0x3] =	stream.indirect.gather [hbm4b:s6+s12], $0x10, s31, s12, $0xb8;
	[tilespmem:$0x16000] =	vst v63  }
0x109: {  	s30 =	sadd.s32 $0x7000, s0;
	s31 =	sor.u32 $0x100, s24  }
0x10a: {  	[tilespmem:s30], [sflag:$0x3] =	stream.indirect.gather [hbm4b:s6+s12], $0x10, s31, s12, $0xb8;
	[tilespmem:$0x16000] =	vst v63  }
0x10b: {  	s30 =	sadd.s32 $0x7800, s0;
	s31 =	sor.u32 $0x180, s24  }
0x10c: {  	[tilespmem:s30], [sflag:$0x3] =	stream.indirect.gather [hbm4b:s6+s12], $0x10, s31, s12, $0xb8;
	[tilespmem:$0x16000] =	vst v63  }
0x10d: {  	s30 =	sadd.s32 $0x8000, s0;
	s31 =	sor.u32 $0x200, s24  }
0x10e: {  	[tilespmem:s30], [sflag:$0x3] =	stream.indirect.gather [hbm4b:s6+s12], $0x10, s31, s12, $0xb8;
	[tilespmem:$0x16000] =	vst v63  }
0x10f: {  	s30 =	sadd.s32 $0x8800, s0;
	s31 =	sor.u32 $0x280, s24  }
0x110: {  	[tilespmem:s30], [sflag:$0x3] =	stream.indirect.gather [hbm4b:s6+s12], $0x10, s31, s12, $0xb8;
	[tilespmem:$0x16000] =	vst v63  }
.Ltmp9:
0x111: {  	_ = 	snop;
	(pc) =	sbr.rel @p1 .LBB2_16-.Ltmp9, $4  }
0x112: {  	s30 =	sadd.s32 $0x9000, s0;
	s31 =	sor.u32 $0x300, s24  }
0x113: {  	[tilespmem:s30], [sflag:$0x3] =	stream.indirect.gather [hbm4b:s6+s12], $0x10, s31, s12, $0xb8;
	[tilespmem:$0x16000] =	vst v63  }
0x114: {  	s0 =	sadd.s32 $0x9800, s0;
	s24 =	sor.u32 $0x380, s24  }
0x115: {  	[tilespmem:s0], [sflag:$0x3] =	stream.indirect.gather [hbm4b:s6+s12], $0x10, s24, s12, $0xb8;
	[tilespmem:$0x16000] =	vst v63  }
0x116: {  	s0 =	sadd.s32 $0x0, s25  }
0x117: {  	s24 =	sadd.s32 $0x1000, s0  }
0x118: {  	s30 =	sadd.s32 $0x1010, s0;
	v8 =	vor.u32 s24, v0  }
0x119: {  	s31 =	sadd.s32 $0x1020, s0;
	v7 =	vor.u32 s30, v0;
	v9 =	vmulhi.u32 $0xAAAAAAAB, v8  }
0x11a: {  	s26 =	sadd.s32 $0x1030, s0;
	v6 =	vor.u32 s31, v0;
	v10 =	vmulhi.u32 $0xAAAAAAAB, v7  }
0x11b: {  	s29 =	sadd.s32 $0x1040, s0;
	v5 =	vor.u32 s26, v0;
	v11 =	vmulhi.u32 $0xAAAAAAAB, v6  }
0x11c: {  	v4 =	vor.u32 s29, v0;
	s30 =	sadd.s32 $0x1050, s0;
	v13 =	vmulhi.u32 $0xAAAAAAAB, v5  }
0x11d: {  	s26 =	sshll.u32 s25, $0x2;
	s29 =	sadd.s32 $0x1060, s0;
	s0 =	sadd.s32 $0x1070, s0;
	v15 =	vmulhi.u32 $0xAAAAAAAB, v4;
	v3 =	vor.u32 s30, v0  }
0x11e: {  	s31 =	sshra.s32 s26, $0x2;
	v1 =	vor.u32 s29, v0;
	v2 =	vor.u32 s0, v0;
	v18 =	vmulhi.u32 $0xAAAAAAAB, v3  }
0x11f: {  	s24 =	sadd.s32 $0x1070, s31;
	v19 =	vmulhi.u32 $0xAAAAAAAB, v2;
	v9 =	vshrl.u32 v9, $0x5;
	v12 =	vshrl.u32 v10, $0x5  }
0x120: {  	v10 =	vld [tilespmem:s24+$0xFFFFFF90];
	v16 =	vshrl.u32 v11, $0x5;
	v14 =	vshrl.u32 v13, $0x5;
	v13 =	vshrl.u32 v15, $0x5  }
0x121: {  	s26 =	simm.s32 $0x80;
	v17 =	vmul.u32 $0x30, v9;
	v9 =	vld [tilespmem:s24+$0xFFFFFFA0];
	v15 =	vshrl.u32 v18, $0x5;
	v11 =	vshrl.u32 v19, $0x5  }
.LBB2_14:
0x122: {  	p0 =	sne.s32 s26, $0x380;
	v12 =	vmul.u32 $0x30, v12;
	v16 =	vmul.u32 $0x30, v16;
	v18 =	vld [tilespmem:s24+$0xFFFFFFB0];
	v14 =	vmul.u32 $0x30, v14  }
0x123: {  	v13 =	vmul.u32 $0x30, v13;
	v15 =	vmul.u32 $0x30, v15;
	v8 =	vsub.s32 v8, v17;
	v17 =	vld [tilespmem:s24+$0xFFFFFFC0]  }
0x124: {  	v11 =	vmul.u32 $0x30, v11;
	v8 =	vshll.u32 v8, $0x8;
	v7 =	vsub.s32 v7, v12;
	v12 =	vld [tilespmem:s24+$0xFFFFFFD0]  }
0x125: {  	v6 =	vsub.s32 v6, v16;
	v8 =	vadd.s32 v8, v10;
	v7 =	vshll.u32 v7, $0x8;
	v10 =	vld [tilespmem:s24+$0xFFFFFFE0]  }
0x126: {  	v5 =	vsub.s32 v5, v14;
	v6 =	vshll.u32 v6, $0x8;
	[tilespmem:s24+$0xFFFFFF90] =	vst v8;
	v7 =	vadd.s32 v7, v9;
	v9 =	vld [tilespmem:s24+$0x0]  }
0x127: {  	v4 =	vsub.s32 v4, v13;
	v5 =	vshll.u32 v5, $0x8;
	[tilespmem:s24+$0xFFFFFFA0] =	vst v7;
	v6 =	vadd.s32 v6, v18;
	v13 =	vld [tilespmem:s24+$0xFFFFFFF0]  }
0x128: {  	v3 =	vsub.s32 v3, v15;
	v4 =	vshll.u32 v4, $0x8;
	[tilespmem:s24+$0xFFFFFFB0] =	vst v6;
	v5 =	vadd.s32 v5, v17  }
0x129: {  	s0 =	sadd.s32 s26, s25;
	v2 =	vsub.s32 v2, v11;
	v3 =	vshll.u32 v3, $0x8;
	[tilespmem:s24+$0xFFFFFFC0] =	vst v5;
	v4 =	vadd.s32 v4, v12  }
0x12a: {  	s29 =	sadd.s32 $0x1000, s0;
	s30 =	sadd.s32 $0x1060, s0;
	v2 =	vshll.u32 v2, $0x8;
	[tilespmem:s24+$0xFFFFFFD0] =	vst v4;
	v3 =	vadd.s32 v3, v10;
	v4 =	vmulhi.u32 $0xAAAAAAAB, v1  }
0x12b: {  	v8 =	vor.u32 s29, v0;
	s29 =	sadd.s32 $0x1010, s0;
	v10 =	vor.u32 s30, v0;
	[tilespmem:s24+$0xFFFFFFE0] =	vst v3;
	v2 =	vadd.s32 v2, v9  }
0x12c: {  	v7 =	vor.u32 s29, v0;
	s29 =	sadd.s32 $0x1020, s0;
	v9 =	vmulhi.u32 $0xAAAAAAAB, v8;
	v3 =	vshrl.u32 v4, $0x5;
	[tilespmem:s24+$0x0] =	vst v2  }
0x12d: {  	v11 =	vmulhi.u32 $0xAAAAAAAB, v7;
	v6 =	vor.u32 s29, v0;
	s29 =	sadd.s32 $0x1030, s0;
	v2 =	vmul.u32 $0x30, v3  }
0x12e: {  	v14 =	vmulhi.u32 $0xAAAAAAAB, v6;
	v5 =	vor.u32 s29, v0;
	s29 =	sadd.s32 $0x1040, s0  }
0x12f: {  	v15 =	vmulhi.u32 $0xAAAAAAAB, v5;
	v4 =	vor.u32 s29, v0;
	s29 =	sadd.s32 $0x1050, s0;
	v2 =	vsub.s32 v1, v2;
	v1 =	vmovc v10  }
.Ltmp10:
0x130: {  	s0 =	sadd.s32 $0x1070, s0;
	v17 =	vmulhi.u32 $0xAAAAAAAB, v4;
	v3 =	vor.u32 s29, v0;
	v10 =	vshll.u32 v2, $0x8;
	(pc) =	sbr.rel @p0 .LBB2_14-.Ltmp10, $4  }
0x131: {  	v18 =	vmulhi.u32 $0xAAAAAAAB, v3;
	v2 =	vor.u32 s0, v0;
	v10 =	vadd.s32 v10, v13  }
0x132: {  	v12 =	vshrl.u32 v11, $0x5;
	v9 =	vshrl.u32 v9, $0x5;
	v11 =	vmulhi.u32 $0xAAAAAAAB, v2;
	[tilespmem:s24+$0xFFFFFFF0] =	vst v10;
	s24 =	sadd.s32 $0x80, s24  }
0x133: {  	v16 =	vshrl.u32 v14, $0x5;
	v14 =	vshrl.u32 v15, $0x5;
	v13 =	vshrl.u32 v17, $0x5;
	v10 =	vld [tilespmem:s24+$0xFFFFFF90]  }
0x134: {  	s26 =	sadd.s32 $0x80, s26;
	v15 =	vshrl.u32 v18, $0x5;
	v17 =	vmul.u32 $0x30, v9;
	v11 =	vshrl.u32 v11, $0x5;
	v9 =	vld [tilespmem:s24+$0xFFFFFFA0]  }
0x135: {  	v12 =	vmul.u32 $0x30, v12;
	v16 =	vmul.u32 $0x30, v16;
	v14 =	vmul.u32 $0x30, v14  }
0x136: {  	v18 =	vld [tilespmem:s24+$0xFFFFFFB0];
	v13 =	vmul.u32 $0x30, v13;
	v15 =	vmul.u32 $0x30, v15;
	v8 =	vsub.s32 v8, v17  }
0x137: {  	v56 =	vld [tilespmem:s24+$0xFFFFFFC0];
	v11 =	vmul.u32 $0x30, v11;
	v59 =	vmulhi.u32 $0xAAAAAAAB, v1;
	v8 =	vshll.u32 v8, $0x8  }
0x138: {  	v57 =	vld [tilespmem:s24+$0xFFFFFFD0];
	v7 =	vsub.s32 v7, v12;
	v6 =	vsub.s32 v6, v16;
	v5 =	vsub.s32 v5, v14  }
0x139: {  	v58 =	vld [tilespmem:s24+$0xFFFFFFE0];
	v4 =	vsub.s32 v4, v13;
	v8 =	vadd.s32 v8, v10;
	v7 =	vshll.u32 v7, $0x8  }
0x13a: {  	v60 =	vld [tilespmem:s24+$0x0];
	v62 =	vshrl.u32 v59, $0x5;
	v6 =	vshll.u32 v6, $0x8;
	[tilespmem:s24+$0xFFFFFF90] =	vst v8;
	v7 =	vadd.s32 v7, v9  }
0x13b: {  	v61 =	vld [tilespmem:s24+$0xFFFFFFF0];
	v3 =	vsub.s32 v3, v15;
	v5 =	vshll.u32 v5, $0x8;
	v6 =	vadd.s32 v6, v18;
	[tilespmem:s24+$0xFFFFFFA0] =	vst v7  }
0x13c: {  	v4 =	vshll.u32 v4, $0x8;
	v63 =	vmul.u32 $0x30, v62;
	v5 =	vadd.s32 v5, v56;
	[tilespmem:s24+$0xFFFFFFB0] =	vst v6  }
.Ltmp11:
0x13d: {  	v2 =	vsub.s32 v2, v11;
	v3 =	vshll.u32 v3, $0x8;
	v4 =	vadd.s32 v4, v57;
	[tilespmem:s24+$0xFFFFFFC0] =	vst v5;
	(pc) =	sbr.rel .LBB2_16-.Ltmp11, $4  }
0x13e: {  	v2 =	vshll.u32 v2, $0x8;
	v3 =	vadd.s32 v3, v58;
	v1 =	vsub.s32 v1, v63;
	[tilespmem:s24+$0xFFFFFFD0] =	vst v4  }
0x13f: {  	v2 =	vadd.s32 v2, v60;
	[tilespmem:s24+$0xFFFFFFE0] =	vst v3;
	v1 =	vshll.u32 v1, $0x8  }
0x140: {  	[tilespmem:s24+$0x0] =	vst v2;
	v1 =	vadd.s32 v1, v61  }
0x141: {  	[tilespmem:s24+$0xFFFFFFF0] =	vst v1  }
.LBB2_18:
0x142: {  	_ =	sfence.sel $0x180000  }
0x143: {  	[bflag:$0x0] =	sbarrier.arrive $0xFFFF  }
0x144: {  	_ =	strace $0x90000047  }
0x145: {  	[bflag:$0x2] =	sbarrier.arrive $0xFFFF  }
0x146: {  	p0 =	sne.s32 s1, $0x0;
	s0 =	rddreg [dreg:$0x2]  }
0x147: {  	s0 =	sadd.s32 @!p0 $0x100000, s0  }
0x148: {  	[sflag:s0] =	ssyncadd.tile.s32 @!p0 $0x1;
	_ =	shalt  }
.Lfunc_end2:
_tile_overlayer_lowered:
.L_overlay_start_2:
0x149: {  	(tag) =	ssettag $0x2  }
0x14a: {  	s0 =	rddreg [dreg:$0x0];
	s2 =	stileid.u32  }
0x14b: {  	s1 =	rddreg [dreg:$0x1];
	p0 =	sne.s32 s2, $0x0  }
0x14c: {  	s3 =	rddreg [dreg:$0x2];
	[bflag:$0x3] =	sbarrier.arrive $0xFFFF;
	s2 =	simm.s32 @!p0 $0x1C05  }
0x14d: {  	[timem:s3], [sflag:s2] =	dma.local @!p0 [hbm:s0], s1  }
0x14e: {  	s0 =	simm.s32 @!p0 $0x5  }
0x14f: {  	_ =	swait.ge @!p0 [sflag:s0], s1  }
0x150: {  	s1 =	ssub.s32 @!p0 $0x0, s1;
	[sflag:s0] =	ssyncset.done @!p0 $0x0  }
0x151: {  	[sflag:s0] =	ssyncadd.s32 @!p0 s1  }
0x152: {  	[bflag:$0x3] =	sbarrier.arrive $0xFFFF  }
0x153: {  	_ =	shalt  }

</sc_bundles>
